<compile_context>
chip_gen: v7x
topology: tpu7x:2x2x1
jax: 0.10.2.dev20260603
libtpu: 0.0.44.dev20260713+nightly
codegen_flags: <defaults>
</compile_context>

<pallas_src>
import functools

import jax
import jax.numpy as jnp
from jax import lax
from jax.experimental import pallas as pl
from jax.experimental.pallas import tpu as pltpu
from jax.experimental.pallas import tpu_sc as plsc

DH = 16
CHUNK = 128
NW = 32
NSUB = 16


def _sc_mesh():
    return plsc.VectorSubcoreMesh(core_axis_name="c", subcore_axis_name="s")


def _row_scatter(n_nodes, n_chunks_per_tile):
    npad = ((n_nodes + 1 + NSUB * 8 - 1) // (NSUB * 8)) * (NSUB * 8)
    rows_per_sub = npad // NSUB

    @functools.partial(
        pl.kernel,
        out_type=jax.ShapeDtypeStruct((2, npad, DH), jnp.float32),
        mesh=_sc_mesh(),
        compiler_params=pltpu.CompilerParams(use_tc_tiling_on_sc=False),
        scratch_types=[
            pltpu.VMEM((n_chunks_per_tile, CHUNK), jnp.int32),
            pltpu.VMEM((n_chunks_per_tile, CHUNK), jnp.int32),
            pltpu.VMEM((CHUNK, DH), jnp.float32),
            pltpu.VMEM((rows_per_sub, DH), jnp.float32),
            pltpu.VMEM_SHARED((npad, DH), jnp.float32),
            pltpu.SemaphoreType.DMA,
        ],
    )
    def scat(hs, src3, dst3, out, sidx, didx, rows, zbuf, accum, sem):
        c = lax.axis_index("c")
        s = lax.axis_index("s")
        wid = s * 2 + c

        def zero_row(i, _):
            zbuf[i, :] = jnp.zeros((DH,), jnp.float32)
            return 0

        lax.fori_loop(0, rows_per_sub, zero_row, 0)
        pltpu.sync_copy(zbuf, accum.at[pl.ds(s * rows_per_sub, rows_per_sub)])
        pltpu.sync_copy(src3.at[wid], sidx)
        pltpu.sync_copy(dst3.at[wid], didx)
        plsc.subcore_barrier()

        def chunk(j, _):
            pltpu.async_copy(hs.at[sidx.at[j]], rows, sem).wait()
            pltpu.sync_copy(rows, accum.at[didx.at[j]], add=True)
            return 0

        lax.fori_loop(0, n_chunks_per_tile, chunk, 0)
        plsc.subcore_barrier()
        pltpu.sync_copy(
            accum.at[pl.ds(s * rows_per_sub, rows_per_sub)],
            out.at[c, pl.ds(s * rows_per_sub, rows_per_sub)],
        )

    return scat


def _ones_scatter(n_nodes, n_chunks_per_tile):
    npad = ((n_nodes + 1 + NSUB * 8 - 1) // (NSUB * 8)) * (NSUB * 8)
    rows_per_sub = npad // NSUB

    @functools.partial(
        pl.kernel,
        out_type=jax.ShapeDtypeStruct((2, npad, DH), jnp.float32),
        mesh=_sc_mesh(),
        compiler_params=pltpu.CompilerParams(use_tc_tiling_on_sc=False),
        scratch_types=[
            pltpu.VMEM((n_chunks_per_tile, CHUNK), jnp.int32),
            pltpu.VMEM((CHUNK, DH), jnp.float32),
            pltpu.VMEM((rows_per_sub, DH), jnp.float32),
            pltpu.VMEM_SHARED((npad, DH), jnp.float32),
        ],
    )
    def deg(dst3, out, didx, ones, zbuf, accum):
        c = lax.axis_index("c")
        s = lax.axis_index("s")
        wid = s * 2 + c

        def fill(i, _):
            zbuf[i, :] = jnp.zeros((DH,), jnp.float32)
            return 0

        lax.fori_loop(0, rows_per_sub, fill, 0)

        def fill1(i, _):
            ones[i, :] = jnp.ones((DH,), jnp.float32)
            return 0

        lax.fori_loop(0, CHUNK, fill1, 0)
        pltpu.sync_copy(zbuf, accum.at[pl.ds(s * rows_per_sub, rows_per_sub)])
        pltpu.sync_copy(dst3.at[wid], didx)
        plsc.subcore_barrier()

        def chunk(j, _):
            pltpu.sync_copy(ones, accum.at[didx.at[j]], add=True)
            return 0

        lax.fori_loop(0, n_chunks_per_tile, chunk, 0)
        plsc.subcore_barrier()
        pltpu.sync_copy(
            accum.at[pl.ds(s * rows_per_sub, rows_per_sub)],
            out.at[c, pl.ds(s * rows_per_sub, rows_per_sub)],
        )

    return deg


def _tc_in(x, W1, degp, blk):
    n, d_in = x.shape

    def body(x_ref, w_ref, deg_ref, hs_ref, dr_ref):
        dinv = lax.rsqrt(deg_ref[0] + deg_ref[1] + 1.0)
        h = jnp.dot(x_ref[...], w_ref[...], preferred_element_type=jnp.float32)
        hs_ref[...] = h * dinv
        dr_ref[...] = dinv

    return pl.pallas_call(
        body,
        grid=(n // blk,),
        in_specs=[
            pl.BlockSpec((blk, d_in), lambda i: (i, 0)),
            pl.BlockSpec((d_in, DH), lambda i: (0, 0)),
            pl.BlockSpec((2, blk, DH), lambda i: (0, i, 0)),
        ],
        out_specs=[
            pl.BlockSpec((blk, DH), lambda i: (i, 0)),
            pl.BlockSpec((blk, DH), lambda i: (i, 0)),
        ],
        out_shape=[
            jax.ShapeDtypeStruct((n, DH), jnp.float32),
            jax.ShapeDtypeStruct((n, DH), jnp.float32),
        ],
    )(x, W1, degp)


def _tc_mid(s1, hs1, dinvrow, b1, blk):
    n = hs1.shape[0]

    def body(s_ref, h_ref, d_ref, b_ref, o_ref):
        agg = d_ref[...] * (s_ref[0] + s_ref[1] + h_ref[...])
        z = jnp.maximum(agg + b_ref[...], 0.0)
        o_ref[...] = d_ref[...] * z

    return pl.pallas_call(
        body,
        grid=(n // blk,),
        in_specs=[
            pl.BlockSpec((2, blk, DH), lambda i: (0, i, 0)),
            pl.BlockSpec((blk, DH), lambda i: (i, 0)),
            pl.BlockSpec((blk, DH), lambda i: (i, 0)),
            pl.BlockSpec((1, DH), lambda i: (0, 0)),
        ],
        out_specs=pl.BlockSpec((blk, DH), lambda i: (i, 0)),
        out_shape=jax.ShapeDtypeStruct((n, DH), jnp.float32),
    )(s1, hs1, dinvrow, b1)


def _tc_out(s2, hs2, dinvrow, W2, b2, blk):
    n = hs2.shape[0]
    d_out = W2.shape[1]

    def body(s_ref, h_ref, d_ref, w_ref, b_ref, o_ref):
        agg = d_ref[...] * (s_ref[0] + s_ref[1] + h_ref[...])
        y = jnp.dot(agg, w_ref[...], preferred_element_type=jnp.float32)
        y = y + b_ref[...]
        m = jnp.max(y, axis=1, keepdims=True)
        lse = m + jnp.log(jnp.sum(jnp.exp(y - m), axis=1, keepdims=True))
        o_ref[...] = y - lse

    return pl.pallas_call(
        body,
        grid=(n // blk,),
        in_specs=[
            pl.BlockSpec((2, blk, DH), lambda i: (0, i, 0)),
            pl.BlockSpec((blk, DH), lambda i: (i, 0)),
            pl.BlockSpec((blk, DH), lambda i: (i, 0)),
            pl.BlockSpec((DH, d_out), lambda i: (0, 0)),
            pl.BlockSpec((1, d_out), lambda i: (0, 0)),
        ],
        out_specs=pl.BlockSpec((blk, d_out), lambda i: (i, 0)),
        out_shape=jax.ShapeDtypeStruct((n, d_out), jnp.float32),
    )(s2, hs2, dinvrow, W2, b2)


def kernel(x, edge_index, W1, b1, W2, b2):
    n, _ = x.shape
    e = edge_index.shape[1]
    blk = 1000 if n % 1000 == 0 else 8

    epad = ((e + NW * CHUNK - 1) // (NW * CHUNK)) * (NW * CHUNK)
    n_chunks_per_tile = epad // (NW * CHUNK)
    src = edge_index[0].astype(jnp.int32)
    dst = edge_index[1].astype(jnp.int32)
    src3 = jnp.concatenate([src, jnp.zeros((epad - e,), jnp.int32)]).reshape(
        NW, n_chunks_per_tile, CHUNK
    )
    dst3 = jnp.concatenate([dst, jnp.full((epad - e,), n, jnp.int32)]).reshape(
        NW, n_chunks_per_tile, CHUNK
    )

    degp = _ones_scatter(n, n_chunks_per_tile)(dst3)
    hs1, dinvrow = _tc_in(x, W1, degp[:, :n], blk)
    s1 = _row_scatter(n, n_chunks_per_tile)(hs1, src3, dst3)
    hs2 = _tc_mid(s1[:, :n], hs1, dinvrow, b1.reshape(1, DH), blk)
    s2 = _row_scatter(n, n_chunks_per_tile)(hs2, src3, dst3)
    return _tc_out(s2[:, :n], hs2, dinvrow, W2, b2.reshape(1, -1), blk)

# --- scband reference (transcript-rebuilt; emitter-appended) ---
"""Pipeline reference for scband-gcn-73581379715085 (READ-ONLY COPY).

The authoritative reference and input builder live on the scoring server;
editing this copy changes nothing except your own understanding.
"""

import jax, jax.numpy as jnp
import numpy as np

N_NODES = 10000
N_EDGES = 160000
D_IN = 256
D_HID = 16
D_OUT = 256


def glorot(key, shape):
    limit = float(np.sqrt(6.0 / (shape[0] + shape[1])))
    return jax.random.uniform(key, shape, dtype=jnp.float32, minval=-limit, maxval=limit)


def setup_inputs(seed: int = 0) -> dict:
    key = jax.random.key(seed)
    k1, k2, k3, k4 = jax.random.split(key, 4)
    x = jax.random.normal(k1, (N_NODES, D_IN), dtype=jnp.float32)
    edge_index = jax.random.randint(k2, (2, N_EDGES), 0, N_NODES)
    W1 = glorot(k3, (D_IN, D_HID))
    b1 = jnp.zeros((D_HID,), dtype=jnp.float32)
    W2 = glorot(k4, (D_HID, D_OUT))
    b2 = jnp.zeros((D_OUT,), dtype=jnp.float32)
    return {"x": x, "edge_index": edge_index, "W1": W1, "b1": b1, "W2": W2, "b2": b2}


def gcn_conv(x, edge_index, W, b):
    # PyG GCNConv default: out = D^{-1/2} (A + I) D^{-1/2} X W + b
    n = x.shape[0]
    loop = jnp.arange(n, dtype=edge_index.dtype)
    src = jnp.concatenate([edge_index[0], loop])
    dst = jnp.concatenate([edge_index[1], loop])
    deg = jnp.zeros((n,), dtype=x.dtype).at[dst].add(1.0)
    dinv = jnp.where(deg > 0, jax.lax.rsqrt(jnp.maximum(deg, 1e-12)), 0.0)
    norm = dinv[src] * dinv[dst]
    h = x @ W  # linear transform first (PyG order)
    msg = h[src] * norm[:, None]  # gather + normalize
    out = jnp.zeros((n, W.shape[1]), dtype=x.dtype).at[dst].add(msg)  # scatter-add
    return out + b


def reference(x, edge_index, W1, b1, W2, b2):
    h = gcn_conv(x, edge_index, W1, b1)
    h = jax.nn.relu(h)
    # F.dropout(p=0.5, training=self.training): identity in eval mode
    h = gcn_conv(h, edge_index, W2, b2)
    return jax.nn.log_softmax(h, axis=1)

if __name__ == "__main__":
    import jax
    _d = setup_inputs()
    print(jax.jit(kernel)(*tuple(_d.values())))

</pallas_src>

<mosaic_0001>
#map = affine_map<(d0, d1) -> (0, 0, 0)>
module attributes {stable_mosaic.version = 14 : i64} {
  func.func @deg(%arg0: i32, %arg1: i32, %arg2: memref<32x40x128xi32, #tpu.memory_space<hbm>>, %arg3: memref<2x10112x16xf32, #tpu.memory_space<hbm>>, %arg4: memref<40x128xi32, #tpu.memory_space<vmem>>, %arg5: memref<128x16xf32, #tpu.memory_space<vmem>>, %arg6: memref<632x16xf32, #tpu.memory_space<vmem>>, %arg7: memref<10112x16xf32, #tpu.memory_space<vmem_shared>>) attributes {dimension_semantics = [#tpu.dimension_semantics<core_parallel>, #tpu.dimension_semantics<subcore_parallel>], iteration_bounds = array<i64: 2, 16>, scalar_prefetch = 0 : i64, scratch_operands = 4 : i64, tpu.core_type = #tpu.core_type<sc_vector_subcore>, window_params = [{transform_indices = #map}, {transform_indices = #map}]} {
    %mul3A = arith.constant 2 : i32
    %mul3A_0 = arith.muli %arg1, %mul3A : i32
    %add3A = arith.addi %mul3A_0, %arg0 : i32
    %scan3A = arith.constant 0 : i32
    %scan3A_1 = arith.constant 0 : i32
    %scan3A_2 = arith.constant 632 : i32
    %scan3A_3 = arith.addi %scan3A_1, %scan3A_2 : i32
    %scan3A_4 = arith.constant 1 : i32
    %scan3A_5 = scf.for %scan3A_28 = %scan3A_1 to %scan3A_3 step %scan3A_4 iter_args(%scan3A_29 = %scan3A) -> (i32)  : i32 {
      %broadcast_in_dim3A = arith.constant 0.000000e+00 : f32
      %broadcast_in_dim3A_30 = vector.broadcast %broadcast_in_dim3A : f32 to vector<16xf32>
      %swap3A = arith.index_cast %scan3A_28 : i32 to index
      %swap3A_31 = arith.constant 0 : index
      %swap3A_32 = tpu.vector_load %arg6[%swap3A, %swap3A_31] {strides = array<i32>} : memref<632x16xf32, #tpu.memory_space<vmem>>, vector<1x16xf32>,
      %swap3A_33 = vector.shape_cast %swap3A_32 : vector<1x16xf32> to vector<16xf32>
      %swap3A_34 = vector.shape_cast %broadcast_in_dim3A_30 : vector<16xf32> to vector<1x16xf32>
      tpu.vector_store %arg6[%swap3A, %swap3A_31], %swap3A_34 {strides = array<i32>} : memref<632x16xf32, #tpu.memory_space<vmem>>, vector<1x16xf32>,
      %scan3A_35 = arith.constant 0 : i32
      scf.yield %scan3A_35 : i32
    }
    %scan3A_6 = arith.constant 632 : i32
    %scan3A_7 = arith.constant 0 : i32
    %scan3A_8 = arith.constant 0 : i32
    %scan3A_9 = arith.constant 128 : i32
    %scan3A_10 = arith.addi %scan3A_8, %scan3A_9 : i32
    %scan3A_11 = arith.constant 1 : i32
    %scan3A_12 = scf.for %scan3A_28 = %scan3A_8 to %scan3A_10 step %scan3A_11 iter_args(%scan3A_29 = %scan3A_7) -> (i32)  : i32 {
      %broadcast_in_dim3A = arith.constant 1.000000e+00 : f32
      %broadcast_in_dim3A_30 = vector.broadcast %broadcast_in_dim3A : f32 to vector<16xf32>
      %swap3A = arith.index_cast %scan3A_28 : i32 to index
      %swap3A_31 = arith.constant 0 : index
      %swap3A_32 = tpu.vector_load %arg5[%swap3A, %swap3A_31] {strides = array<i32>} : memref<128x16xf32, #tpu.memory_space<vmem>>, vector<1x16xf32>,
      %swap3A_33 = vector.shape_cast %swap3A_32 : vector<1x16xf32> to vector<16xf32>
      %swap3A_34 = vector.shape_cast %broadcast_in_dim3A_30 : vector<16xf32> to vector<1x16xf32>
      tpu.vector_store %arg5[%swap3A, %swap3A_31], %swap3A_34 {strides = array<i32>} : memref<128x16xf32, #tpu.memory_space<vmem>>, vector<1x16xf32>,
      %scan3A_35 = arith.constant 0 : i32
      scf.yield %scan3A_35 : i32
    }
    %scan3A_13 = arith.constant 128 : i32
    %mul3A_14 = arith.constant 632 : i32
    %mul3A_15 = arith.muli %arg1, %mul3A_14 : i32
    "tpu.region"() ({
      %run_scoped3A = tpu.sem_alloc : memref<!tpu.dma_semaphore, #tpu.memory_space<semaphore_mem>>
      %dma_start3A = arith.constant 0 : i32
      %dma_start3A_28 = tpu.memref_slice %arg7[%mul3A_15, %dma_start3A] : memref<10112x16xf32, #tpu.memory_space<vmem_shared>> -> memref<632x16xf32, #tpu.memory_space<vmem_shared>>
      %dma_start3A_29 = arith.constant 0 : i32
      %dma_start3A_30 = tpu.memref_slice %arg7[%mul3A_15, %dma_start3A_29] : memref<10112x16xf32, #tpu.memory_space<vmem_shared>> -> memref<632x16xf32, #tpu.memory_space<vmem_shared>>
      tpu.enqueue_dma source(%arg6 : memref<632x16xf32, #tpu.memory_space<vmem>>) target(%dma_start3A_30 : memref<632x16xf32, #tpu.memory_space<vmem_shared>>) target_semaphore(%run_scoped3A : memref<!tpu.dma_semaphore, #tpu.memory_space<semaphore_mem>>)
      %dma_wait3A = arith.constant 0 : i32
      %dma_wait3A_31 = tpu.memref_slice %arg7[%mul3A_15, %dma_wait3A] : memref<10112x16xf32, #tpu.memory_space<vmem_shared>> -> memref<632x16xf32, #tpu.memory_space<vmem_shared>>
      %dma_wait3A_32 = arith.constant 0 : i32
      %dma_wait3A_33 = tpu.memref_slice %arg7[%mul3A_15, %dma_wait3A_32] : memref<10112x16xf32, #tpu.memory_space<vmem_shared>> -> memref<632x16xf32, #tpu.memory_space<vmem_shared>>
      tpu.wait_dma2 semaphore(%run_scoped3A : memref<!tpu.dma_semaphore, #tpu.memory_space<semaphore_mem>>) src(%arg6 : memref<632x16xf32, #tpu.memory_space<vmem>>) dst(%dma_wait3A_33 : memref<632x16xf32, #tpu.memory_space<vmem_shared>>)
      tpu.yield
    }) : () -> ()
    "tpu.region"() ({
      %run_scoped3A = tpu.sem_alloc : memref<!tpu.dma_semaphore, #tpu.memory_space<semaphore_mem>>
      %dma_start3A = arith.constant 0 : i32
      %dma_start3A_28 = arith.constant 0 : i32
      %dma_start3A_29 = tpu.memref_slice %arg2[%add3A, %dma_start3A, %dma_start3A_28] : memref<32x40x128xi32, #tpu.memory_space<hbm>> -> memref<1x40x128xi32, #tpu.memory_space<hbm>>
      %dma_start3A_30 = tpu.memref_squeeze %dma_start3A_29 : memref<1x40x128xi32, #tpu.memory_space<hbm>> -> memref<40x128xi32, #tpu.memory_space<hbm>>
      %dma_start3A_31 = arith.constant 0 : i32
      %dma_start3A_32 = arith.constant 0 : i32
      %dma_start3A_33 = tpu.memref_slice %arg2[%add3A, %dma_start3A_31, %dma_start3A_32] : memref<32x40x128xi32, #tpu.memory_space<hbm>> -> memref<1x40x128xi32, #tpu.memory_space<hbm>>
      %dma_start3A_34 = tpu.memref_squeeze %dma_start3A_33 : memref<1x40x128xi32, #tpu.memory_space<hbm>> -> memref<40x128xi32, #tpu.memory_space<hbm>>
      tpu.enqueue_dma source(%dma_start3A_34 : memref<40x128xi32, #tpu.memory_space<hbm>>) target(%arg4 : memref<40x128xi32, #tpu.memory_space<vmem>>) target_semaphore(%run_scoped3A : memref<!tpu.dma_semaphore, #tpu.memory_space<semaphore_mem>>)
      %dma_wait3A = arith.constant 0 : i32
      %dma_wait3A_35 = arith.constant 0 : i32
      %dma_wait3A_36 = tpu.memref_slice %arg2[%add3A, %dma_wait3A, %dma_wait3A_35] : memref<32x40x128xi32, #tpu.memory_space<hbm>> -> memref<1x40x128xi32, #tpu.memory_space<hbm>>
      %dma_wait3A_37 = tpu.memref_squeeze %dma_wait3A_36 : memref<1x40x128xi32, #tpu.memory_space<hbm>> -> memref<40x128xi32, #tpu.memory_space<hbm>>
      %dma_wait3A_38 = arith.constant 0 : i32
      %dma_wait3A_39 = arith.constant 0 : i32
      %dma_wait3A_40 = tpu.memref_slice %arg2[%add3A, %dma_wait3A_38, %dma_wait3A_39] : memref<32x40x128xi32, #tpu.memory_space<hbm>> -> memref<1x40x128xi32, #tpu.memory_space<hbm>>
      %dma_wait3A_41 = tpu.memref_squeeze %dma_wait3A_40 : memref<1x40x128xi32, #tpu.memory_space<hbm>> -> memref<40x128xi32, #tpu.memory_space<hbm>>
      tpu.wait_dma2 semaphore(%run_scoped3A : memref<!tpu.dma_semaphore, #tpu.memory_space<semaphore_mem>>) src(%dma_wait3A_41 : memref<40x128xi32, #tpu.memory_space<hbm>>) dst(%arg4 : memref<40x128xi32, #tpu.memory_space<vmem>>)
      tpu.yield
    }) : () -> ()
    %barrier3A = arith.constant 0 : index
    tpu.barrier barrier_id(%barrier3A)
    %scan3A_16 = arith.constant 0 : i32
    %scan3A_17 = arith.constant 0 : i32
    %scan3A_18 = arith.constant 40 : i32
    %scan3A_19 = arith.addi %scan3A_17, %scan3A_18 : i32
    %scan3A_20 = arith.constant 1 : i32
    %scan3A_21 = scf.for %scan3A_28 = %scan3A_17 to %scan3A_19 step %scan3A_20 iter_args(%scan3A_29 = %scan3A_16) -> (i32)  : i32 {
      "tpu.region"() ({
        %run_scoped3A = tpu.sem_alloc : memref<!tpu.dma_semaphore, #tpu.memory_space<semaphore_mem>>
        %dma_start3A = arith.constant 0 : i32
        %dma_start3A_31 = tpu.memref_slice %arg4[%scan3A_28, %dma_start3A] : memref<40x128xi32, #tpu.memory_space<vmem>> -> memref<1x128xi32, #tpu.memory_space<vmem>>
        %dma_start3A_32 = tpu.memref_squeeze %dma_start3A_31 : memref<1x128xi32, #tpu.memory_space<vmem>> -> memref<128xi32, #tpu.memory_space<vmem>>
        %dma_start3A_33 = arith.constant 0 : i32
        %dma_start3A_34 = arith.constant 0 : i32
        %dma_start3A_35 = tpu.memref_slice %arg7[%dma_start3A_33, %dma_start3A_34] : memref<10112x16xf32, #tpu.memory_space<vmem_shared>> -> memref<10112x16xf32, #tpu.memory_space<vmem_shared>>
        tpu.enqueue_indirect_dma source(%arg5 : memref<128x16xf32, #tpu.memory_space<vmem>>) target(%dma_start3A_35 : memref<10112x16xf32, #tpu.memory_space<vmem_shared>>) offsets(%dma_start3A_32 : memref<128xi32, #tpu.memory_space<vmem>>) semaphore(%run_scoped3A : memref<!tpu.dma_semaphore, #tpu.memory_space<semaphore_mem>>) {add = true}
        %dma_wait3A = arith.constant 0 : i32
        %dma_wait3A_36 = tpu.memref_slice %arg4[%scan3A_28, %dma_wait3A] : memref<40x128xi32, #tpu.memory_space<vmem>> -> memref<1x128xi32, #tpu.memory_space<vmem>>
        %dma_wait3A_37 = tpu.memref_squeeze %dma_wait3A_36 : memref<1x128xi32, #tpu.memory_space<vmem>> -> memref<128xi32, #tpu.memory_space<vmem>>
        %dma_wait3A_38 = arith.constant 0 : i32
        %dma_wait3A_39 = arith.constant 0 : i32
        %dma_wait3A_40 = tpu.memref_slice %arg7[%dma_wait3A_38, %dma_wait3A_39] : memref<10112x16xf32, #tpu.memory_space<vmem_shared>> -> memref<10112x16xf32, #tpu.memory_space<vmem_shared>>
        tpu.wait_indirect_dma semaphore(%run_scoped3A : memref<!tpu.dma_semaphore, #tpu.memory_space<semaphore_mem>>) src(%arg5 : memref<128x16xf32, #tpu.memory_space<vmem>>) dst(%dma_wait3A_40 : memref<10112x16xf32, #tpu.memory_space<vmem_shared>>)
        tpu.yield
      }) : () -> ()
      %scan3A_30 = arith.constant 0 : i32
      scf.yield %scan3A_30 : i32
    }
    %scan3A_22 = arith.constant 40 : i32
    %barrier3A_23 = arith.constant 0 : index
    tpu.barrier barrier_id(%barrier3A_23)
    %mul3A_24 = arith.constant 632 : i32
    %mul3A_25 = arith.muli %arg1, %mul3A_24 : i32
    %mul3A_26 = arith.constant 632 : i32
    %mul3A_27 = arith.muli %arg1, %mul3A_26 : i32
    "tpu.region"() ({
      %run_scoped3A = tpu.sem_alloc : memref<!tpu.dma_semaphore, #tpu.memory_space<semaphore_mem>>
      %dma_start3A = arith.constant 0 : i32
      %dma_start3A_28 = tpu.memref_slice %arg3[%arg0, %mul3A_27, %dma_start3A] : memref<2x10112x16xf32, #tpu.memory_space<hbm>> -> memref<1x632x16xf32, #tpu.memory_space<hbm>>
      %dma_start3A_29 = tpu.memref_squeeze %dma_start3A_28 : memref<1x632x16xf32, #tpu.memory_space<hbm>> -> memref<632x16xf32, #tpu.memory_space<hbm>>
      %dma_start3A_30 = arith.constant 0 : i32
      %dma_start3A_31 = tpu.memref_slice %arg7[%mul3A_25, %dma_start3A_30] : memref<10112x16xf32, #tpu.memory_space<vmem_shared>> -> memref<632x16xf32, #tpu.memory_space<vmem_shared>>
      tpu.enqueue_dma source(%dma_start3A_31 : memref<632x16xf32, #tpu.memory_space<vmem_shared>>) target(%dma_start3A_29 : memref<632x16xf32, #tpu.memory_space<hbm>>) target_semaphore(%run_scoped3A : memref<!tpu.dma_semaphore, #tpu.memory_space<semaphore_mem>>)
      %dma_wait3A = arith.constant 0 : i32
      %dma_wait3A_32 = tpu.memref_slice %arg3[%arg0, %mul3A_27, %dma_wait3A] : memref<2x10112x16xf32, #tpu.memory_space<hbm>> -> memref<1x632x16xf32, #tpu.memory_space<hbm>>
      %dma_wait3A_33 = tpu.memref_squeeze %dma_wait3A_32 : memref<1x632x16xf32, #tpu.memory_space<hbm>> -> memref<632x16xf32, #tpu.memory_space<hbm>>
      %dma_wait3A_34 = arith.constant 0 : i32
      %dma_wait3A_35 = tpu.memref_slice %arg7[%mul3A_25, %dma_wait3A_34] : memref<10112x16xf32, #tpu.memory_space<vmem_shared>> -> memref<632x16xf32, #tpu.memory_space<vmem_shared>>
      tpu.wait_dma2 semaphore(%run_scoped3A : memref<!tpu.dma_semaphore, #tpu.memory_space<semaphore_mem>>) src(%dma_wait3A_35 : memref<632x16xf32, #tpu.memory_space<vmem_shared>>) dst(%dma_wait3A_33 : memref<632x16xf32, #tpu.memory_space<hbm>>)
      tpu.yield
    }) : () -> ()
    return
  }
}

#map = affine_map<(d0, d1) -> (0, 0)>
#map1 = affine_map<(d0, d1) -> (0, 0, 0)>
module attributes {stable_mosaic.version = 14 : i64} {
  func.func @scat(%arg0: i32, %arg1: i32, %arg2: memref<10000x16xf32, #tpu.memory_space<hbm>>, %arg3: memref<32x40x128xi32, #tpu.memory_space<hbm>>, %arg4: memref<32x40x128xi32, #tpu.memory_space<hbm>>, %arg5: memref<2x10112x16xf32, #tpu.memory_space<hbm>>, %arg6: memref<40x128xi32, #tpu.memory_space<vmem>>, %arg7: memref<40x128xi32, #tpu.memory_space<vmem>>, %arg8: memref<128x16xf32, #tpu.memory_space<vmem>>, %arg9: memref<632x16xf32, #tpu.memory_space<vmem>>, %arg10: memref<10112x16xf32, #tpu.memory_space<vmem_shared>>, %arg11: memref<!tpu.dma_semaphore, #tpu.memory_space<semaphore_mem>>) attributes {dimension_semantics = [#tpu.dimension_semantics<core_parallel>, #tpu.dimension_semantics<subcore_parallel>], iteration_bounds = array<i64: 2, 16>, scalar_prefetch = 0 : i64, scratch_operands = 6 : i64, tpu.core_type = #tpu.core_type<sc_vector_subcore>, window_params = [{transform_indices = #map}, {transform_indices = #map1}, {transform_indices = #map1}, {transform_indices = #map1}]} {
    %mul3A = arith.constant 2 : i32
    %mul3A_0 = arith.muli %arg1, %mul3A : i32
    %add3A = arith.addi %mul3A_0, %arg0 : i32
    %scan3A = arith.constant 0 : i32
    %scan3A_1 = arith.constant 0 : i32
    %scan3A_2 = arith.constant 632 : i32
    %scan3A_3 = arith.addi %scan3A_1, %scan3A_2 : i32
    %scan3A_4 = arith.constant 1 : i32
    %scan3A_5 = scf.for %scan3A_21 = %scan3A_1 to %scan3A_3 step %scan3A_4 iter_args(%scan3A_22 = %scan3A) -> (i32)  : i32 {
      %broadcast_in_dim3A = arith.constant 0.000000e+00 : f32
      %broadcast_in_dim3A_23 = vector.broadcast %broadcast_in_dim3A : f32 to vector<16xf32>
      %swap3A = arith.index_cast %scan3A_21 : i32 to index
      %swap3A_24 = arith.constant 0 : index
      %swap3A_25 = tpu.vector_load %arg9[%swap3A, %swap3A_24] {strides = array<i32>} : memref<632x16xf32, #tpu.memory_space<vmem>>, vector<1x16xf32>,
      %swap3A_26 = vector.shape_cast %swap3A_25 : vector<1x16xf32> to vector<16xf32>
      %swap3A_27 = vector.shape_cast %broadcast_in_dim3A_23 : vector<16xf32> to vector<1x16xf32>
      tpu.vector_store %arg9[%swap3A, %swap3A_24], %swap3A_27 {strides = array<i32>} : memref<632x16xf32, #tpu.memory_space<vmem>>, vector<1x16xf32>,
      %scan3A_28 = arith.constant 0 : i32
      scf.yield %scan3A_28 : i32
    }
    %scan3A_6 = arith.constant 632 : i32
    %mul3A_7 = arith.constant 632 : i32
    %mul3A_8 = arith.muli %arg1, %mul3A_7 : i32
    "tpu.region"() ({
      %run_scoped3A = tpu.sem_alloc : memref<!tpu.dma_semaphore, #tpu.memory_space<semaphore_mem>>
      %dma_start3A = arith.constant 0 : i32
      %dma_start3A_21 = tpu.memref_slice %arg10[%mul3A_8, %dma_start3A] : memref<10112x16xf32, #tpu.memory_space<vmem_shared>> -> memref<632x16xf32, #tpu.memory_space<vmem_shared>>
      %dma_start3A_22 = arith.constant 0 : i32
      %dma_start3A_23 = tpu.memref_slice %arg10[%mul3A_8, %dma_start3A_22] : memref<10112x16xf32, #tpu.memory_space<vmem_shared>> -> memref<632x16xf32, #tpu.memory_space<vmem_shared>>
      tpu.enqueue_dma source(%arg9 : memref<632x16xf32, #tpu.memory_space<vmem>>) target(%dma_start3A_23 : memref<632x16xf32, #tpu.memory_space<vmem_shared>>) target_semaphore(%run_scoped3A : memref<!tpu.dma_semaphore, #tpu.memory_space<semaphore_mem>>)
      %dma_wait3A = arith.constant 0 : i32
      %dma_wait3A_24 = tpu.memref_slice %arg10[%mul3A_8, %dma_wait3A] : memref<10112x16xf32, #tpu.memory_space<vmem_shared>> -> memref<632x16xf32, #tpu.memory_space<vmem_shared>>
      %dma_wait3A_25 = arith.constant 0 : i32
      %dma_wait3A_26 = tpu.memref_slice %arg10[%mul3A_8, %dma_wait3A_25] : memref<10112x16xf32, #tpu.memory_space<vmem_shared>> -> memref<632x16xf32, #tpu.memory_space<vmem_shared>>
      tpu.wait_dma2 semaphore(%run_scoped3A : memref<!tpu.dma_semaphore, #tpu.memory_space<semaphore_mem>>) src(%arg9 : memref<632x16xf32, #tpu.memory_space<vmem>>) dst(%dma_wait3A_26 : memref<632x16xf32, #tpu.memory_space<vmem_shared>>)
      tpu.yield
    }) : () -> ()
    "tpu.region"() ({
      %run_scoped3A = tpu.sem_alloc : memref<!tpu.dma_semaphore, #tpu.memory_space<semaphore_mem>>
      %dma_start3A = arith.constant 0 : i32
      %dma_start3A_21 = arith.constant 0 : i32
      %dma_start3A_22 = tpu.memref_slice %arg3[%add3A, %dma_start3A, %dma_start3A_21] : memref<32x40x128xi32, #tpu.memory_space<hbm>> -> memref<1x40x128xi32, #tpu.memory_space<hbm>>
      %dma_start3A_23 = tpu.memref_squeeze %dma_start3A_22 : memref<1x40x128xi32, #tpu.memory_space<hbm>> -> memref<40x128xi32, #tpu.memory_space<hbm>>
      %dma_start3A_24 = arith.constant 0 : i32
      %dma_start3A_25 = arith.constant 0 : i32
      %dma_start3A_26 = tpu.memref_slice %arg3[%add3A, %dma_start3A_24, %dma_start3A_25] : memref<32x40x128xi32, #tpu.memory_space<hbm>> -> memref<1x40x128xi32, #tpu.memory_space<hbm>>
      %dma_start3A_27 = tpu.memref_squeeze %dma_start3A_26 : memref<1x40x128xi32, #tpu.memory_space<hbm>> -> memref<40x128xi32, #tpu.memory_space<hbm>>
      tpu.enqueue_dma source(%dma_start3A_27 : memref<40x128xi32, #tpu.memory_space<hbm>>) target(%arg6 : memref<40x128xi32, #tpu.memory_space<vmem>>) target_semaphore(%run_scoped3A : memref<!tpu.dma_semaphore, #tpu.memory_space<semaphore_mem>>)
      %dma_wait3A = arith.constant 0 : i32
      %dma_wait3A_28 = arith.constant 0 : i32
      %dma_wait3A_29 = tpu.memref_slice %arg3[%add3A, %dma_wait3A, %dma_wait3A_28] : memref<32x40x128xi32, #tpu.memory_space<hbm>> -> memref<1x40x128xi32, #tpu.memory_space<hbm>>
      %dma_wait3A_30 = tpu.memref_squeeze %dma_wait3A_29 : memref<1x40x128xi32, #tpu.memory_space<hbm>> -> memref<40x128xi32, #tpu.memory_space<hbm>>
      %dma_wait3A_31 = arith.constant 0 : i32
      %dma_wait3A_32 = arith.constant 0 : i32
      %dma_wait3A_33 = tpu.memref_slice %arg3[%add3A, %dma_wait3A_31, %dma_wait3A_32] : memref<32x40x128xi32, #tpu.memory_space<hbm>> -> memref<1x40x128xi32, #tpu.memory_space<hbm>>
      %dma_wait3A_34 = tpu.memref_squeeze %dma_wait3A_33 : memref<1x40x128xi32, #tpu.memory_space<hbm>> -> memref<40x128xi32, #tpu.memory_space<hbm>>
      tpu.wait_dma2 semaphore(%run_scoped3A : memref<!tpu.dma_semaphore, #tpu.memory_space<semaphore_mem>>) src(%dma_wait3A_34 : memref<40x128xi32, #tpu.memory_space<hbm>>) dst(%arg6 : memref<40x128xi32, #tpu.memory_space<vmem>>)
      tpu.yield
    }) : () -> ()
    "tpu.region"() ({
      %run_scoped3A = tpu.sem_alloc : memref<!tpu.dma_semaphore, #tpu.memory_space<semaphore_mem>>
      %dma_start3A = arith.constant 0 : i32
      %dma_start3A_21 = arith.constant 0 : i32
      %dma_start3A_22 = tpu.memref_slice %arg4[%add3A, %dma_start3A, %dma_start3A_21] : memref<32x40x128xi32, #tpu.memory_space<hbm>> -> memref<1x40x128xi32, #tpu.memory_space<hbm>>
      %dma_start3A_23 = tpu.memref_squeeze %dma_start3A_22 : memref<1x40x128xi32, #tpu.memory_space<hbm>> -> memref<40x128xi32, #tpu.memory_space<hbm>>
      %dma_start3A_24 = arith.constant 0 : i32
      %dma_start3A_25 = arith.constant 0 : i32
      %dma_start3A_26 = tpu.memref_slice %arg4[%add3A, %dma_start3A_24, %dma_start3A_25] : memref<32x40x128xi32, #tpu.memory_space<hbm>> -> memref<1x40x128xi32, #tpu.memory_space<hbm>>
      %dma_start3A_27 = tpu.memref_squeeze %dma_start3A_26 : memref<1x40x128xi32, #tpu.memory_space<hbm>> -> memref<40x128xi32, #tpu.memory_space<hbm>>
      tpu.enqueue_dma source(%dma_start3A_27 : memref<40x128xi32, #tpu.memory_space<hbm>>) target(%arg7 : memref<40x128xi32, #tpu.memory_space<vmem>>) target_semaphore(%run_scoped3A : memref<!tpu.dma_semaphore, #tpu.memory_space<semaphore_mem>>)
      %dma_wait3A = arith.constant 0 : i32
      %dma_wait3A_28 = arith.constant 0 : i32
      %dma_wait3A_29 = tpu.memref_slice %arg4[%add3A, %dma_wait3A, %dma_wait3A_28] : memref<32x40x128xi32, #tpu.memory_space<hbm>> -> memref<1x40x128xi32, #tpu.memory_space<hbm>>
      %dma_wait3A_30 = tpu.memref_squeeze %dma_wait3A_29 : memref<1x40x128xi32, #tpu.memory_space<hbm>> -> memref<40x128xi32, #tpu.memory_space<hbm>>
      %dma_wait3A_31 = arith.constant 0 : i32
      %dma_wait3A_32 = arith.constant 0 : i32
      %dma_wait3A_33 = tpu.memref_slice %arg4[%add3A, %dma_wait3A_31, %dma_wait3A_32] : memref<32x40x128xi32, #tpu.memory_space<hbm>> -> memref<1x40x128xi32, #tpu.memory_space<hbm>>
      %dma_wait3A_34 = tpu.memref_squeeze %dma_wait3A_33 : memref<1x40x128xi32, #tpu.memory_space<hbm>> -> memref<40x128xi32, #tpu.memory_space<hbm>>
      tpu.wait_dma2 semaphore(%run_scoped3A : memref<!tpu.dma_semaphore, #tpu.memory_space<semaphore_mem>>) src(%dma_wait3A_34 : memref<40x128xi32, #tpu.memory_space<hbm>>) dst(%arg7 : memref<40x128xi32, #tpu.memory_space<vmem>>)
      tpu.yield
    }) : () -> ()
    %barrier3A = arith.constant 0 : index
    tpu.barrier barrier_id(%barrier3A)
    %scan3A_9 = arith.constant 0 : i32
    %scan3A_10 = arith.constant 0 : i32
    %scan3A_11 = arith.constant 40 : i32
    %scan3A_12 = arith.addi %scan3A_10, %scan3A_11 : i32
    %scan3A_13 = arith.constant 1 : i32
    %scan3A_14 = scf.for %scan3A_21 = %scan3A_10 to %scan3A_12 step %scan3A_13 iter_args(%scan3A_22 = %scan3A_9) -> (i32)  : i32 {
      %dma_start3A = arith.constant 0 : i32
      %dma_start3A_23 = tpu.memref_slice %arg6[%scan3A_21, %dma_start3A] : memref<40x128xi32, #tpu.memory_space<vmem>> -> memref<1x128xi32, #tpu.memory_space<vmem>>
      %dma_start3A_24 = tpu.memref_squeeze %dma_start3A_23 : memref<1x128xi32, #tpu.memory_space<vmem>> -> memref<128xi32, #tpu.memory_space<vmem>>
      %dma_start3A_25 = arith.constant 0 : i32
      %dma_start3A_26 = arith.constant 0 : i32
      %dma_start3A_27 = tpu.memref_slice %arg2[%dma_start3A_25, %dma_start3A_26] : memref<10000x16xf32, #tpu.memory_space<hbm>> -> memref<10000x16xf32, #tpu.memory_space<hbm>>
      tpu.enqueue_indirect_dma source(%dma_start3A_27 : memref<10000x16xf32, #tpu.memory_space<hbm>>) target(%arg8 : memref<128x16xf32, #tpu.memory_space<vmem>>) offsets(%dma_start3A_24 : memref<128xi32, #tpu.memory_space<vmem>>) semaphore(%arg11 : memref<!tpu.dma_semaphore, #tpu.memory_space<semaphore_mem>>)
      %dma_wait3A = arith.constant 0 : i32
      %dma_wait3A_28 = tpu.memref_slice %arg6[%scan3A_21, %dma_wait3A] : memref<40x128xi32, #tpu.memory_space<vmem>> -> memref<1x128xi32, #tpu.memory_space<vmem>>
      %dma_wait3A_29 = tpu.memref_squeeze %dma_wait3A_28 : memref<1x128xi32, #tpu.memory_space<vmem>> -> memref<128xi32, #tpu.memory_space<vmem>>
      %dma_wait3A_30 = arith.constant 0 : i32
      %dma_wait3A_31 = arith.constant 0 : i32
      %dma_wait3A_32 = tpu.memref_slice %arg2[%dma_wait3A_30, %dma_wait3A_31] : memref<10000x16xf32, #tpu.memory_space<hbm>> -> memref<10000x16xf32, #tpu.memory_space<hbm>>
      tpu.wait_indirect_dma semaphore(%arg11 : memref<!tpu.dma_semaphore, #tpu.memory_space<semaphore_mem>>) src(%dma_wait3A_32 : memref<10000x16xf32, #tpu.memory_space<hbm>>) dst(%arg8 : memref<128x16xf32, #tpu.memory_space<vmem>>)
      "tpu.region"() ({
        %run_scoped3A = tpu.sem_alloc : memref<!tpu.dma_semaphore, #tpu.memory_space<semaphore_mem>>
        %dma_start3A_34 = arith.constant 0 : i32
        %dma_start3A_35 = tpu.memref_slice %arg7[%scan3A_21, %dma_start3A_34] : memref<40x128xi32, #tpu.memory_space<vmem>> -> memref<1x128xi32, #tpu.memory_space<vmem>>
        %dma_start3A_36 = tpu.memref_squeeze %dma_start3A_35 : memref<1x128xi32, #tpu.memory_space<vmem>> -> memref<128xi32, #tpu.memory_space<vmem>>
        %dma_start3A_37 = arith.constant 0 : i32
        %dma_start3A_38 = arith.constant 0 : i32
        %dma_start3A_39 = tpu.memref_slice %arg10[%dma_start3A_37, %dma_start3A_38] : memref<10112x16xf32, #tpu.memory_space<vmem_shared>> -> memref<10112x16xf32, #tpu.memory_space<vmem_shared>>
        tpu.enqueue_indirect_dma source(%arg8 : memref<128x16xf32, #tpu.memory_space<vmem>>) target(%dma_start3A_39 : memref<10112x16xf32, #tpu.memory_space<vmem_shared>>) offsets(%dma_start3A_36 : memref<128xi32, #tpu.memory_space<vmem>>) semaphore(%run_scoped3A : memref<!tpu.dma_semaphore, #tpu.memory_space<semaphore_mem>>) {add = true}
        %dma_wait3A_40 = arith.constant 0 : i32
        %dma_wait3A_41 = tpu.memref_slice %arg7[%scan3A_21, %dma_wait3A_40] : memref<40x128xi32, #tpu.memory_space<vmem>> -> memref<1x128xi32, #tpu.memory_space<vmem>>
        %dma_wait3A_42 = tpu.memref_squeeze %dma_wait3A_41 : memref<1x128xi32, #tpu.memory_space<vmem>> -> memref<128xi32, #tpu.memory_space<vmem>>
        %dma_wait3A_43 = arith.constant 0 : i32
        %dma_wait3A_44 = arith.constant 0 : i32
        %dma_wait3A_45 = tpu.memref_slice %arg10[%dma_wait3A_43, %dma_wait3A_44] : memref<10112x16xf32, #tpu.memory_space<vmem_shared>> -> memref<10112x16xf32, #tpu.memory_space<vmem_shared>>
        tpu.wait_indirect_dma semaphore(%run_scoped3A : memref<!tpu.dma_semaphore, #tpu.memory_space<semaphore_mem>>) src(%arg8 : memref<128x16xf32, #tpu.memory_space<vmem>>) dst(%dma_wait3A_45 : memref<10112x16xf32, #tpu.memory_space<vmem_shared>>)
        tpu.yield
      }) : () -> ()
      %scan3A_33 = arith.constant 0 : i32
      scf.yield %scan3A_33 : i32
    }
    %scan3A_15 = arith.constant 40 : i32
    %barrier3A_16 = arith.constant 0 : index
    tpu.barrier barrier_id(%barrier3A_16)
    %mul3A_17 = arith.constant 632 : i32
    %mul3A_18 = arith.muli %arg1, %mul3A_17 : i32
    %mul3A_19 = arith.constant 632 : i32
    %mul3A_20 = arith.muli %arg1, %mul3A_19 : i32
    "tpu.region"() ({
      %run_scoped3A = tpu.sem_alloc : memref<!tpu.dma_semaphore, #tpu.memory_space<semaphore_mem>>
      %dma_start3A = arith.constant 0 : i32
      %dma_start3A_21 = tpu.memref_slice %arg5[%arg0, %mul3A_20, %dma_start3A] : memref<2x10112x16xf32, #tpu.memory_space<hbm>> -> memref<1x632x16xf32, #tpu.memory_space<hbm>>
      %dma_start3A_22 = tpu.memref_squeeze %dma_start3A_21 : memref<1x632x16xf32, #tpu.memory_space<hbm>> -> memref<632x16xf32, #tpu.memory_space<hbm>>
      %dma_start3A_23 = arith.constant 0 : i32
      %dma_start3A_24 = tpu.memref_slice %arg10[%mul3A_18, %dma_start3A_23] : memref<10112x16xf32, #tpu.memory_space<vmem_shared>> -> memref<632x16xf32, #tpu.memory_space<vmem_shared>>
      tpu.enqueue_dma source(%dma_start3A_24 : memref<632x16xf32, #tpu.memory_space<vmem_shared>>) target(%dma_start3A_22 : memref<632x16xf32, #tpu.memory_space<hbm>>) target_semaphore(%run_scoped3A : memref<!tpu.dma_semaphore, #tpu.memory_space<semaphore_mem>>)
      %dma_wait3A = arith.constant 0 : i32
      %dma_wait3A_25 = tpu.memref_slice %arg5[%arg0, %mul3A_20, %dma_wait3A] : memref<2x10112x16xf32, #tpu.memory_space<hbm>> -> memref<1x632x16xf32, #tpu.memory_space<hbm>>
      %dma_wait3A_26 = tpu.memref_squeeze %dma_wait3A_25 : memref<1x632x16xf32, #tpu.memory_space<hbm>> -> memref<632x16xf32, #tpu.memory_space<hbm>>
      %dma_wait3A_27 = arith.constant 0 : i32
      %dma_wait3A_28 = tpu.memref_slice %arg10[%mul3A_18, %dma_wait3A_27] : memref<10112x16xf32, #tpu.memory_space<vmem_shared>> -> memref<632x16xf32, #tpu.memory_space<vmem_shared>>
      tpu.wait_dma2 semaphore(%run_scoped3A : memref<!tpu.dma_semaphore, #tpu.memory_space<semaphore_mem>>) src(%dma_wait3A_28 : memref<632x16xf32, #tpu.memory_space<vmem_shared>>) dst(%dma_wait3A_26 : memref<632x16xf32, #tpu.memory_space<hbm>>)
      tpu.yield
    }) : () -> ()
    return
  }
}

#map = affine_map<(d0, d1) -> (0, 0)>
#map1 = affine_map<(d0, d1) -> (0, 0, 0)>
module attributes {stable_mosaic.version = 14 : i64} {
  func.func @scat(%arg0: i32, %arg1: i32, %arg2: memref<10000x16xf32, #tpu.memory_space<hbm>>, %arg3: memref<32x40x128xi32, #tpu.memory_space<hbm>>, %arg4: memref<32x40x128xi32, #tpu.memory_space<hbm>>, %arg5: memref<2x10112x16xf32, #tpu.memory_space<hbm>>, %arg6: memref<40x128xi32, #tpu.memory_space<vmem>>, %arg7: memref<40x128xi32, #tpu.memory_space<vmem>>, %arg8: memref<128x16xf32, #tpu.memory_space<vmem>>, %arg9: memref<632x16xf32, #tpu.memory_space<vmem>>, %arg10: memref<10112x16xf32, #tpu.memory_space<vmem_shared>>, %arg11: memref<!tpu.dma_semaphore, #tpu.memory_space<semaphore_mem>>) attributes {dimension_semantics = [#tpu.dimension_semantics<core_parallel>, #tpu.dimension_semantics<subcore_parallel>], iteration_bounds = array<i64: 2, 16>, scalar_prefetch = 0 : i64, scratch_operands = 6 : i64, tpu.core_type = #tpu.core_type<sc_vector_subcore>, window_params = [{transform_indices = #map}, {transform_indices = #map1}, {transform_indices = #map1}, {transform_indices = #map1}]} {
    %mul3A = arith.constant 2 : i32
    %mul3A_0 = arith.muli %arg1, %mul3A : i32
    %add3A = arith.addi %mul3A_0, %arg0 : i32
    %scan3A = arith.constant 0 : i32
    %scan3A_1 = arith.constant 0 : i32
    %scan3A_2 = arith.constant 632 : i32
    %scan3A_3 = arith.addi %scan3A_1, %scan3A_2 : i32
    %scan3A_4 = arith.constant 1 : i32
    %scan3A_5 = scf.for %scan3A_21 = %scan3A_1 to %scan3A_3 step %scan3A_4 iter_args(%scan3A_22 = %scan3A) -> (i32)  : i32 {
      %broadcast_in_dim3A = arith.constant 0.000000e+00 : f32
      %broadcast_in_dim3A_23 = vector.broadcast %broadcast_in_dim3A : f32 to vector<16xf32>
      %swap3A = arith.index_cast %scan3A_21 : i32 to index
      %swap3A_24 = arith.constant 0 : index
      %swap3A_25 = tpu.vector_load %arg9[%swap3A, %swap3A_24] {strides = array<i32>} : memref<632x16xf32, #tpu.memory_space<vmem>>, vector<1x16xf32>,
      %swap3A_26 = vector.shape_cast %swap3A_25 : vector<1x16xf32> to vector<16xf32>
      %swap3A_27 = vector.shape_cast %broadcast_in_dim3A_23 : vector<16xf32> to vector<1x16xf32>
      tpu.vector_store %arg9[%swap3A, %swap3A_24], %swap3A_27 {strides = array<i32>} : memref<632x16xf32, #tpu.memory_space<vmem>>, vector<1x16xf32>,
      %scan3A_28 = arith.constant 0 : i32
      scf.yield %scan3A_28 : i32
    }
    %scan3A_6 = arith.constant 632 : i32
    %mul3A_7 = arith.constant 632 : i32
    %mul3A_8 = arith.muli %arg1, %mul3A_7 : i32
    "tpu.region"() ({
      %run_scoped3A = tpu.sem_alloc : memref<!tpu.dma_semaphore, #tpu.memory_space<semaphore_mem>>
      %dma_start3A = arith.constant 0 : i32
      %dma_start3A_21 = tpu.memref_slice %arg10[%mul3A_8, %dma_start3A] : memref<10112x16xf32, #tpu.memory_space<vmem_shared>> -> memref<632x16xf32, #tpu.memory_space<vmem_shared>>
      %dma_start3A_22 = arith.constant 0 : i32
      %dma_start3A_23 = tpu.memref_slice %arg10[%mul3A_8, %dma_start3A_22] : memref<10112x16xf32, #tpu.memory_space<vmem_shared>> -> memref<632x16xf32, #tpu.memory_space<vmem_shared>>
      tpu.enqueue_dma source(%arg9 : memref<632x16xf32, #tpu.memory_space<vmem>>) target(%dma_start3A_23 : memref<632x16xf32, #tpu.memory_space<vmem_shared>>) target_semaphore(%run_scoped3A : memref<!tpu.dma_semaphore, #tpu.memory_space<semaphore_mem>>)
      %dma_wait3A = arith.constant 0 : i32
      %dma_wait3A_24 = tpu.memref_slice %arg10[%mul3A_8, %dma_wait3A] : memref<10112x16xf32, #tpu.memory_space<vmem_shared>> -> memref<632x16xf32, #tpu.memory_space<vmem_shared>>
      %dma_wait3A_25 = arith.constant 0 : i32
      %dma_wait3A_26 = tpu.memref_slice %arg10[%mul3A_8, %dma_wait3A_25] : memref<10112x16xf32, #tpu.memory_space<vmem_shared>> -> memref<632x16xf32, #tpu.memory_space<vmem_shared>>
      tpu.wait_dma2 semaphore(%run_scoped3A : memref<!tpu.dma_semaphore, #tpu.memory_space<semaphore_mem>>) src(%arg9 : memref<632x16xf32, #tpu.memory_space<vmem>>) dst(%dma_wait3A_26 : memref<632x16xf32, #tpu.memory_space<vmem_shared>>)
      tpu.yield
    }) : () -> ()
    "tpu.region"() ({
      %run_scoped3A = tpu.sem_alloc : memref<!tpu.dma_semaphore, #tpu.memory_space<semaphore_mem>>
      %dma_start3A = arith.constant 0 : i32
      %dma_start3A_21 = arith.constant 0 : i32
      %dma_start3A_22 = tpu.memref_slice %arg3[%add3A, %dma_start3A, %dma_start3A_21] : memref<32x40x128xi32, #tpu.memory_space<hbm>> -> memref<1x40x128xi32, #tpu.memory_space<hbm>>
      %dma_start3A_23 = tpu.memref_squeeze %dma_start3A_22 : memref<1x40x128xi32, #tpu.memory_space<hbm>> -> memref<40x128xi32, #tpu.memory_space<hbm>>
      %dma_start3A_24 = arith.constant 0 : i32
      %dma_start3A_25 = arith.constant 0 : i32
      %dma_start3A_26 = tpu.memref_slice %arg3[%add3A, %dma_start3A_24, %dma_start3A_25] : memref<32x40x128xi32, #tpu.memory_space<hbm>> -> memref<1x40x128xi32, #tpu.memory_space<hbm>>
      %dma_start3A_27 = tpu.memref_squeeze %dma_start3A_26 : memref<1x40x128xi32, #tpu.memory_space<hbm>> -> memref<40x128xi32, #tpu.memory_space<hbm>>
      tpu.enqueue_dma source(%dma_start3A_27 : memref<40x128xi32, #tpu.memory_space<hbm>>) target(%arg6 : memref<40x128xi32, #tpu.memory_space<vmem>>) target_semaphore(%run_scoped3A : memref<!tpu.dma_semaphore, #tpu.memory_space<semaphore_mem>>)
      %dma_wait3A = arith.constant 0 : i32
      %dma_wait3A_28 = arith.constant 0 : i32
      %dma_wait3A_29 = tpu.memref_slice %arg3[%add3A, %dma_wait3A, %dma_wait3A_28] : memref<32x40x128xi32, #tpu.memory_space<hbm>> -> memref<1x40x128xi32, #tpu.memory_space<hbm>>
      %dma_wait3A_30 = tpu.memref_squeeze %dma_wait3A_29 : memref<1x40x128xi32, #tpu.memory_space<hbm>> -> memref<40x128xi32, #tpu.memory_space<hbm>>
      %dma_wait3A_31 = arith.constant 0 : i32
      %dma_wait3A_32 = arith.constant 0 : i32
      %dma_wait3A_33 = tpu.memref_slice %arg3[%add3A, %dma_wait3A_31, %dma_wait3A_32] : memref<32x40x128xi32, #tpu.memory_space<hbm>> -> memref<1x40x128xi32, #tpu.memory_space<hbm>>
      %dma_wait3A_34 = tpu.memref_squeeze %dma_wait3A_33 : memref<1x40x128xi32, #tpu.memory_space<hbm>> -> memref<40x128xi32, #tpu.memory_space<hbm>>
      tpu.wait_dma2 semaphore(%run_scoped3A : memref<!tpu.dma_semaphore, #tpu.memory_space<semaphore_mem>>) src(%dma_wait3A_34 : memref<40x128xi32, #tpu.memory_space<hbm>>) dst(%arg6 : memref<40x128xi32, #tpu.memory_space<vmem>>)
      tpu.yield
    }) : () -> ()
    "tpu.region"() ({
      %run_scoped3A = tpu.sem_alloc : memref<!tpu.dma_semaphore, #tpu.memory_space<semaphore_mem>>
      %dma_start3A = arith.constant 0 : i32
      %dma_start3A_21 = arith.constant 0 : i32
      %dma_start3A_22 = tpu.memref_slice %arg4[%add3A, %dma_start3A, %dma_start3A_21] : memref<32x40x128xi32, #tpu.memory_space<hbm>> -> memref<1x40x128xi32, #tpu.memory_space<hbm>>
      %dma_start3A_23 = tpu.memref_squeeze %dma_start3A_22 : memref<1x40x128xi32, #tpu.memory_space<hbm>> -> memref<40x128xi32, #tpu.memory_space<hbm>>
      %dma_start3A_24 = arith.constant 0 : i32
      %dma_start3A_25 = arith.constant 0 : i32
      %dma_start3A_26 = tpu.memref_slice %arg4[%add3A, %dma_start3A_24, %dma_start3A_25] : memref<32x40x128xi32, #tpu.memory_space<hbm>> -> memref<1x40x128xi32, #tpu.memory_space<hbm>>
      %dma_start3A_27 = tpu.memref_squeeze %dma_start3A_26 : memref<1x40x128xi32, #tpu.memory_space<hbm>> -> memref<40x128xi32, #tpu.memory_space<hbm>>
      tpu.enqueue_dma source(%dma_start3A_27 : memref<40x128xi32, #tpu.memory_space<hbm>>) target(%arg7 : memref<40x128xi32, #tpu.memory_space<vmem>>) target_semaphore(%run_scoped3A : memref<!tpu.dma_semaphore, #tpu.memory_space<semaphore_mem>>)
      %dma_wait3A = arith.constant 0 : i32
      %dma_wait3A_28 = arith.constant 0 : i32
      %dma_wait3A_29 = tpu.memref_slice %arg4[%add3A, %dma_wait3A, %dma_wait3A_28] : memref<32x40x128xi32, #tpu.memory_space<hbm>> -> memref<1x40x128xi32, #tpu.memory_space<hbm>>
      %dma_wait3A_30 = tpu.memref_squeeze %dma_wait3A_29 : memref<1x40x128xi32, #tpu.memory_space<hbm>> -> memref<40x128xi32, #tpu.memory_space<hbm>>
      %dma_wait3A_31 = arith.constant 0 : i32
      %dma_wait3A_32 = arith.constant 0 : i32
      %dma_wait3A_33 = tpu.memref_slice %arg4[%add3A, %dma_wait3A_31, %dma_wait3A_32] : memref<32x40x128xi32, #tpu.memory_space<hbm>> -> memref<1x40x128xi32, #tpu.memory_space<hbm>>
      %dma_wait3A_34 = tpu.memref_squeeze %dma_wait3A_33 : memref<1x40x128xi32, #tpu.memory_space<hbm>> -> memref<40x128xi32, #tpu.memory_space<hbm>>
      tpu.wait_dma2 semaphore(%run_scoped3A : memref<!tpu.dma_semaphore, #tpu.memory_space<semaphore_mem>>) src(%dma_wait3A_34 : memref<40x128xi32, #tpu.memory_space<hbm>>) dst(%arg7 : memref<40x128xi32, #tpu.memory_space<vmem>>)
      tpu.yield
    }) : () -> ()
    %barrier3A = arith.constant 0 : index
    tpu.barrier barrier_id(%barrier3A)
    %scan3A_9 = arith.constant 0 : i32
    %scan3A_10 = arith.constant 0 : i32
    %scan3A_11 = arith.constant 40 : i32
    %scan3A_12 = arith.addi %scan3A_10, %scan3A_11 : i32
    %scan3A_13 = arith.constant 1 : i32
    %scan3A_14 = scf.for %scan3A_21 = %scan3A_10 to %scan3A_12 step %scan3A_13 iter_args(%scan3A_22 = %scan3A_9) -> (i32)  : i32 {
      %dma_start3A = arith.constant 0 : i32
      %dma_start3A_23 = tpu.memref_slice %arg6[%scan3A_21, %dma_start3A] : memref<40x128xi32, #tpu.memory_space<vmem>> -> memref<1x128xi32, #tpu.memory_space<vmem>>
      %dma_start3A_24 = tpu.memref_squeeze %dma_start3A_23 : memref<1x128xi32, #tpu.memory_space<vmem>> -> memref<128xi32, #tpu.memory_space<vmem>>
      %dma_start3A_25 = arith.constant 0 : i32
      %dma_start3A_26 = arith.constant 0 : i32
      %dma_start3A_27 = tpu.memref_slice %arg2[%dma_start3A_25, %dma_start3A_26] : memref<10000x16xf32, #tpu.memory_space<hbm>> -> memref<10000x16xf32, #tpu.memory_space<hbm>>
      tpu.enqueue_indirect_dma source(%dma_start3A_27 : memref<10000x16xf32, #tpu.memory_space<hbm>>) target(%arg8 : memref<128x16xf32, #tpu.memory_space<vmem>>) offsets(%dma_start3A_24 : memref<128xi32, #tpu.memory_space<vmem>>) semaphore(%arg11 : memref<!tpu.dma_semaphore, #tpu.memory_space<semaphore_mem>>)
      %dma_wait3A = arith.constant 0 : i32
      %dma_wait3A_28 = tpu.memref_slice %arg6[%scan3A_21, %dma_wait3A] : memref<40x128xi32, #tpu.memory_space<vmem>> -> memref<1x128xi32, #tpu.memory_space<vmem>>
      %dma_wait3A_29 = tpu.memref_squeeze %dma_wait3A_28 : memref<1x128xi32, #tpu.memory_space<vmem>> -> memref<128xi32, #tpu.memory_space<vmem>>
      %dma_wait3A_30 = arith.constant 0 : i32
      %dma_wait3A_31 = arith.constant 0 : i32
      %dma_wait3A_32 = tpu.memref_slice %arg2[%dma_wait3A_30, %dma_wait3A_31] : memref<10000x16xf32, #tpu.memory_space<hbm>> -> memref<10000x16xf32, #tpu.memory_space<hbm>>
      tpu.wait_indirect_dma semaphore(%arg11 : memref<!tpu.dma_semaphore, #tpu.memory_space<semaphore_mem>>) src(%dma_wait3A_32 : memref<10000x16xf32, #tpu.memory_space<hbm>>) dst(%arg8 : memref<128x16xf32, #tpu.memory_space<vmem>>)
      "tpu.region"() ({
        %run_scoped3A = tpu.sem_alloc : memref<!tpu.dma_semaphore, #tpu.memory_space<semaphore_mem>>
        %dma_start3A_34 = arith.constant 0 : i32
        %dma_start3A_35 = tpu.memref_slice %arg7[%scan3A_21, %dma_start3A_34] : memref<40x128xi32, #tpu.memory_space<vmem>> -> memref<1x128xi32, #tpu.memory_space<vmem>>
        %dma_start3A_36 = tpu.memref_squeeze %dma_start3A_35 : memref<1x128xi32, #tpu.memory_space<vmem>> -> memref<128xi32, #tpu.memory_space<vmem>>
        %dma_start3A_37 = arith.constant 0 : i32
        %dma_start3A_38 = arith.constant 0 : i32
        %dma_start3A_39 = tpu.memref_slice %arg10[%dma_start3A_37, %dma_start3A_38] : memref<10112x16xf32, #tpu.memory_space<vmem_shared>> -> memref<10112x16xf32, #tpu.memory_space<vmem_shared>>
        tpu.enqueue_indirect_dma source(%arg8 : memref<128x16xf32, #tpu.memory_space<vmem>>) target(%dma_start3A_39 : memref<10112x16xf32, #tpu.memory_space<vmem_shared>>) offsets(%dma_start3A_36 : memref<128xi32, #tpu.memory_space<vmem>>) semaphore(%run_scoped3A : memref<!tpu.dma_semaphore, #tpu.memory_space<semaphore_mem>>) {add = true}
        %dma_wait3A_40 = arith.constant 0 : i32
        %dma_wait3A_41 = tpu.memref_slice %arg7[%scan3A_21, %dma_wait3A_40] : memref<40x128xi32, #tpu.memory_space<vmem>> -> memref<1x128xi32, #tpu.memory_space<vmem>>
        %dma_wait3A_42 = tpu.memref_squeeze %dma_wait3A_41 : memref<1x128xi32, #tpu.memory_space<vmem>> -> memref<128xi32, #tpu.memory_space<vmem>>
        %dma_wait3A_43 = arith.constant 0 : i32
        %dma_wait3A_44 = arith.constant 0 : i32
        %dma_wait3A_45 = tpu.memref_slice %arg10[%dma_wait3A_43, %dma_wait3A_44] : memref<10112x16xf32, #tpu.memory_space<vmem_shared>> -> memref<10112x16xf32, #tpu.memory_space<vmem_shared>>
        tpu.wait_indirect_dma semaphore(%run_scoped3A : memref<!tpu.dma_semaphore, #tpu.memory_space<semaphore_mem>>) src(%arg8 : memref<128x16xf32, #tpu.memory_space<vmem>>) dst(%dma_wait3A_45 : memref<10112x16xf32, #tpu.memory_space<vmem_shared>>)
        tpu.yield
      }) : () -> ()
      %scan3A_33 = arith.constant 0 : i32
      scf.yield %scan3A_33 : i32
    }
    %scan3A_15 = arith.constant 40 : i32
    %barrier3A_16 = arith.constant 0 : index
    tpu.barrier barrier_id(%barrier3A_16)
    %mul3A_17 = arith.constant 632 : i32
    %mul3A_18 = arith.muli %arg1, %mul3A_17 : i32
    %mul3A_19 = arith.constant 632 : i32
    %mul3A_20 = arith.muli %arg1, %mul3A_19 : i32
    "tpu.region"() ({
      %run_scoped3A = tpu.sem_alloc : memref<!tpu.dma_semaphore, #tpu.memory_space<semaphore_mem>>
      %dma_start3A = arith.constant 0 : i32
      %dma_start3A_21 = tpu.memref_slice %arg5[%arg0, %mul3A_20, %dma_start3A] : memref<2x10112x16xf32, #tpu.memory_space<hbm>> -> memref<1x632x16xf32, #tpu.memory_space<hbm>>
      %dma_start3A_22 = tpu.memref_squeeze %dma_start3A_21 : memref<1x632x16xf32, #tpu.memory_space<hbm>> -> memref<632x16xf32, #tpu.memory_space<hbm>>
      %dma_start3A_23 = arith.constant 0 : i32
      %dma_start3A_24 = tpu.memref_slice %arg10[%mul3A_18, %dma_start3A_23] : memref<10112x16xf32, #tpu.memory_space<vmem_shared>> -> memref<632x16xf32, #tpu.memory_space<vmem_shared>>
      tpu.enqueue_dma source(%dma_start3A_24 : memref<632x16xf32, #tpu.memory_space<vmem_shared>>) target(%dma_start3A_22 : memref<632x16xf32, #tpu.memory_space<hbm>>) target_semaphore(%run_scoped3A : memref<!tpu.dma_semaphore, #tpu.memory_space<semaphore_mem>>)
      %dma_wait3A = arith.constant 0 : i32
      %dma_wait3A_25 = tpu.memref_slice %arg5[%arg0, %mul3A_20, %dma_wait3A] : memref<2x10112x16xf32, #tpu.memory_space<hbm>> -> memref<1x632x16xf32, #tpu.memory_space<hbm>>
      %dma_wait3A_26 = tpu.memref_squeeze %dma_wait3A_25 : memref<1x632x16xf32, #tpu.memory_space<hbm>> -> memref<632x16xf32, #tpu.memory_space<hbm>>
      %dma_wait3A_27 = arith.constant 0 : i32
      %dma_wait3A_28 = tpu.memref_slice %arg10[%mul3A_18, %dma_wait3A_27] : memref<10112x16xf32, #tpu.memory_space<vmem_shared>> -> memref<632x16xf32, #tpu.memory_space<vmem_shared>>
      tpu.wait_dma2 semaphore(%run_scoped3A : memref<!tpu.dma_semaphore, #tpu.memory_space<semaphore_mem>>) src(%dma_wait3A_28 : memref<632x16xf32, #tpu.memory_space<vmem_shared>>) dst(%dma_wait3A_26 : memref<632x16xf32, #tpu.memory_space<hbm>>)
      tpu.yield
    }) : () -> ()
    return
  }
}

module attributes {stable_mosaic.version = 14 : i64} {
  func.func @body(%arg0: i32, %arg1: memref<1000x256xf32, #tpu.memory_space<vmem>>, %arg2: memref<256x16xf32, #tpu.memory_space<vmem>>, %arg3: memref<2x1000x16xf32, #tpu.memory_space<vmem>>, %arg4: memref<1000x16xf32, #tpu.memory_space<vmem>>, %arg5: memref<1000x16xf32, #tpu.memory_space<vmem>>) attributes {dimension_semantics = [#tpu.dimension_semantics<arbitrary>], iteration_bounds = array<i64: 10>, scalar_prefetch = 0 : i64, scratch_operands = 0 : i64, tpu.core_type = #tpu.core_type<tc>, window_params = [{transform_indices = @transform_0, window_bounds = array<i64: 1000, 256>}, {pipeline_mode = #tpu.pipeline_mode<synchronous>, transform_indices = @transform_1, window_bounds = array<i64: 256, 16>}, {transform_indices = @transform_2, window_bounds = array<i64: 2, 1000, 16>}, {transform_indices = @transform_3, window_bounds = array<i64: 1000, 16>}, {transform_indices = @transform_4, window_bounds = array<i64: 1000, 16>}]} {
    %get3A = arith.constant 0 : index
    %get3A_0 = arith.constant 0 : index
    %get3A_1 = arith.constant 0 : index
    %get3A_2 = vector.load %arg3[%get3A, %get3A_0, %get3A_1] : memref<2x1000x16xf32, #tpu.memory_space<vmem>>, vector<1x1000x16xf32>
    %get3A_3 = vector.shape_cast %get3A_2 : vector<1x1000x16xf32> to vector<1000x16xf32>
    %get3A_4 = arith.constant 1 : index
    %get3A_5 = arith.constant 0 : index
    %get3A_6 = arith.constant 0 : index
    %get3A_7 = vector.load %arg3[%get3A_4, %get3A_5, %get3A_6] : memref<2x1000x16xf32, #tpu.memory_space<vmem>>, vector<1x1000x16xf32>
    %get3A_8 = vector.shape_cast %get3A_7 : vector<1x1000x16xf32> to vector<1000x16xf32>
    %add3A = arith.addf %get3A_3, %get3A_8 : vector<1000x16xf32>
    %add3A_9 = arith.constant 1.000000e+00 : f32
    %add3A_10 = vector.broadcast %add3A_9 : f32 to vector<1000x16xf32>
    %add3A_11 = arith.addf %add3A, %add3A_10 : vector<1000x16xf32>
    %rsqrt3A = math.rsqrt %add3A_11 : vector<1000x16xf32>
    %get3A_12 = arith.constant 0 : index
    %get3A_13 = arith.constant 0 : index
    %get3A_14 = vector.load %arg1[%get3A_12, %get3A_13] : memref<1000x256xf32, #tpu.memory_space<vmem>>, vector<1000x256xf32>
    %get3A_15 = arith.constant 0 : index
    %get3A_16 = arith.constant 0 : index
    %get3A_17 = vector.load %arg2[%get3A_15, %get3A_16] : memref<256x16xf32, #tpu.memory_space<vmem>>, vector<256x16xf32>
    %dot_general3A = arith.constant dense<0.000000e+00> : vector<1000x16xf32>
    %dot_general3A_18 = tpu.matmul %get3A_14, %get3A_17, %dot_general3A {dimension_numbers = #tpu.dot_dimension_numbers<[1], [0], [0], [1], [0, 0, 1, 1], [], []>, transpose_lhs_hint = false} : vector<1000x256xf32>, vector<256x16xf32>, vector<1000x16xf32> -> vector<1000x16xf32>
    %mul3A = arith.mulf %dot_general3A_18, %rsqrt3A : vector<1000x16xf32>
    %swap3A = arith.constant 0 : index
    %swap3A_19 = arith.constant 0 : index
    %swap3A_20 = vector.load %arg4[%swap3A, %swap3A_19] : memref<1000x16xf32, #tpu.memory_space<vmem>>, vector<1000x16xf32>
    tpu.vector_store %arg4[%swap3A, %swap3A_19], %mul3A {strides = array<i32>} : memref<1000x16xf32, #tpu.memory_space<vmem>>, vector<1000x16xf32>,
    %swap3A_21 = arith.constant 0 : index
    %swap3A_22 = arith.constant 0 : index
    %swap3A_23 = vector.load %arg5[%swap3A_21, %swap3A_22] : memref<1000x16xf32, #tpu.memory_space<vmem>>, vector<1000x16xf32>
    tpu.vector_store %arg5[%swap3A_21, %swap3A_22], %rsqrt3A {strides = array<i32>} : memref<1000x16xf32, #tpu.memory_space<vmem>>, vector<1000x16xf32>,
    return
  }
  func.func @transform_0(%arg0: i32) -> (i32, i32) {
    %c0_i32 = arith.constant 0 : i32
    %c0_i32_0 = arith.constant 0 : i32
    return %arg0, %c0_i32 : i32, i32
  }
  func.func @transform_1(%arg0: i32) -> (i32, i32) {
    %c0_i32 = arith.constant 0 : i32
    %c0_i32_0 = arith.constant 0 : i32
    %c0_i32_1 = arith.constant 0 : i32
    return %c0_i32, %c0_i32_0 : i32, i32
  }
  func.func @transform_2(%arg0: i32) -> (i32, i32, i32) {
    %c0_i32 = arith.constant 0 : i32
    %c0_i32_0 = arith.constant 0 : i32
    %c0_i32_1 = arith.constant 0 : i32
    return %c0_i32, %arg0, %c0_i32_0 : i32, i32, i32
  }
  func.func @transform_3(%arg0: i32) -> (i32, i32) {
    %c0_i32 = arith.constant 0 : i32
    %c0_i32_0 = arith.constant 0 : i32
    return %arg0, %c0_i32 : i32, i32
  }
  func.func @transform_4(%arg0: i32) -> (i32, i32) {
    %c0_i32 = arith.constant 0 : i32
    %c0_i32_0 = arith.constant 0 : i32
    return %arg0, %c0_i32 : i32, i32
  }
}

module attributes {stable_mosaic.version = 14 : i64} {
  func.func @body(%arg0: i32, %arg1: memref<2x1000x16xf32, #tpu.memory_space<vmem>>, %arg2: memref<1000x16xf32, #tpu.memory_space<vmem>>, %arg3: memref<1000x16xf32, #tpu.memory_space<vmem>>, %arg4: memref<1x16xf32, #tpu.memory_space<vmem>>, %arg5: memref<1000x16xf32, #tpu.memory_space<vmem>>) attributes {dimension_semantics = [#tpu.dimension_semantics<arbitrary>], iteration_bounds = array<i64: 10>, scalar_prefetch = 0 : i64, scratch_operands = 0 : i64, tpu.core_type = #tpu.core_type<tc>, window_params = [{transform_indices = @transform_0, window_bounds = array<i64: 2, 1000, 16>}, {transform_indices = @transform_1, window_bounds = array<i64: 1000, 16>}, {transform_indices = @transform_2, window_bounds = array<i64: 1000, 16>}, {pipeline_mode = #tpu.pipeline_mode<synchronous>, transform_indices = @transform_3, window_bounds = array<i64: 1, 16>}, {transform_indices = @transform_4, window_bounds = array<i64: 1000, 16>}]} {
    %get3A = arith.constant 0 : index
    %get3A_0 = arith.constant 0 : index
    %get3A_1 = vector.load %arg3[%get3A, %get3A_0] : memref<1000x16xf32, #tpu.memory_space<vmem>>, vector<1000x16xf32>
    %get3A_2 = arith.constant 0 : index
    %get3A_3 = arith.constant 0 : index
    %get3A_4 = arith.constant 0 : index
    %get3A_5 = vector.load %arg1[%get3A_2, %get3A_3, %get3A_4] : memref<2x1000x16xf32, #tpu.memory_space<vmem>>, vector<1x1000x16xf32>
    %get3A_6 = vector.shape_cast %get3A_5 : vector<1x1000x16xf32> to vector<1000x16xf32>
    %get3A_7 = arith.constant 1 : index
    %get3A_8 = arith.constant 0 : index
    %get3A_9 = arith.constant 0 : index
    %get3A_10 = vector.load %arg1[%get3A_7, %get3A_8, %get3A_9] : memref<2x1000x16xf32, #tpu.memory_space<vmem>>, vector<1x1000x16xf32>
    %get3A_11 = vector.shape_cast %get3A_10 : vector<1x1000x16xf32> to vector<1000x16xf32>
    %add3A = arith.addf %get3A_6, %get3A_11 : vector<1000x16xf32>
    %get3A_12 = arith.constant 0 : index
    %get3A_13 = arith.constant 0 : index
    %get3A_14 = vector.load %arg2[%get3A_12, %get3A_13] : memref<1000x16xf32, #tpu.memory_space<vmem>>, vector<1000x16xf32>
    %add3A_15 = arith.addf %add3A, %get3A_14 : vector<1000x16xf32>
    %mul3A = arith.mulf %get3A_1, %add3A_15 : vector<1000x16xf32>
    %get3A_16 = arith.constant 0 : index
    %get3A_17 = arith.constant 0 : index
    %get3A_18 = vector.load %arg4[%get3A_16, %get3A_17] : memref<1x16xf32, #tpu.memory_space<vmem>>, vector<1x16xf32>
    %add3A_19 = vector.broadcast %get3A_18 : vector<1x16xf32> to vector<1000x16xf32>
    %add3A_20 = arith.addf %mul3A, %add3A_19 : vector<1000x16xf32>
    %max3A = arith.constant 0.000000e+00 : f32
    %max3A_21 = vector.broadcast %max3A : f32 to vector<1000x16xf32>
    %max3A_22 = arith.maximumf %add3A_20, %max3A_21 : vector<1000x16xf32>
    %get3A_23 = arith.constant 0 : index
    %get3A_24 = arith.constant 0 : index
    %get3A_25 = vector.load %arg3[%get3A_23, %get3A_24] : memref<1000x16xf32, #tpu.memory_space<vmem>>, vector<1000x16xf32>
    %mul3A_26 = arith.mulf %get3A_25, %max3A_22 : vector<1000x16xf32>
    %swap3A = arith.constant 0 : index
    %swap3A_27 = arith.constant 0 : index
    %swap3A_28 = vector.load %arg5[%swap3A, %swap3A_27] : memref<1000x16xf32, #tpu.memory_space<vmem>>, vector<1000x16xf32>
    tpu.vector_store %arg5[%swap3A, %swap3A_27], %mul3A_26 {strides = array<i32>} : memref<1000x16xf32, #tpu.memory_space<vmem>>, vector<1000x16xf32>,
    return
  }
  func.func @transform_0(%arg0: i32) -> (i32, i32, i32) {
    %c0_i32 = arith.constant 0 : i32
    %c0_i32_0 = arith.constant 0 : i32
    %c0_i32_1 = arith.constant 0 : i32
    return %c0_i32, %arg0, %c0_i32_0 : i32, i32, i32
  }
  func.func @transform_1(%arg0: i32) -> (i32, i32) {
    %c0_i32 = arith.constant 0 : i32
    %c0_i32_0 = arith.constant 0 : i32
    return %arg0, %c0_i32 : i32, i32
  }
  func.func @transform_2(%arg0: i32) -> (i32, i32) {
    %c0_i32 = arith.constant 0 : i32
    %c0_i32_0 = arith.constant 0 : i32
    return %arg0, %c0_i32 : i32, i32
  }
  func.func @transform_3(%arg0: i32) -> (i32, i32) {
    %c0_i32 = arith.constant 0 : i32
    %c0_i32_0 = arith.constant 0 : i32
    %c0_i32_1 = arith.constant 0 : i32
    return %c0_i32, %c0_i32_0 : i32, i32
  }
  func.func @transform_4(%arg0: i32) -> (i32, i32) {
    %c0_i32 = arith.constant 0 : i32
    %c0_i32_0 = arith.constant 0 : i32
    return %arg0, %c0_i32 : i32, i32
  }
}

module attributes {stable_mosaic.version = 14 : i64} {
  func.func @body(%arg0: i32, %arg1: memref<2x1000x16xf32, #tpu.memory_space<vmem>>, %arg2: memref<1000x16xf32, #tpu.memory_space<vmem>>, %arg3: memref<1000x16xf32, #tpu.memory_space<vmem>>, %arg4: memref<16x256xf32, #tpu.memory_space<vmem>>, %arg5: memref<1x256xf32, #tpu.memory_space<vmem>>, %arg6: memref<1000x256xf32, #tpu.memory_space<vmem>>) attributes {dimension_semantics = [#tpu.dimension_semantics<arbitrary>], iteration_bounds = array<i64: 10>, scalar_prefetch = 0 : i64, scratch_operands = 0 : i64, tpu.core_type = #tpu.core_type<tc>, window_params = [{transform_indices = @transform_0, window_bounds = array<i64: 2, 1000, 16>}, {transform_indices = @transform_1, window_bounds = array<i64: 1000, 16>}, {transform_indices = @transform_2, window_bounds = array<i64: 1000, 16>}, {pipeline_mode = #tpu.pipeline_mode<synchronous>, transform_indices = @transform_3, window_bounds = array<i64: 16, 256>}, {pipeline_mode = #tpu.pipeline_mode<synchronous>, transform_indices = @transform_4, window_bounds = array<i64: 1, 256>}, {transform_indices = @transform_5, window_bounds = array<i64: 1000, 256>}]} {
    %get3A = arith.constant 0 : index
    %get3A_0 = arith.constant 0 : index
    %get3A_1 = vector.load %arg3[%get3A, %get3A_0] : memref<1000x16xf32, #tpu.memory_space<vmem>>, vector<1000x16xf32>
    %get3A_2 = arith.constant 0 : index
    %get3A_3 = arith.constant 0 : index
    %get3A_4 = arith.constant 0 : index
    %get3A_5 = vector.load %arg1[%get3A_2, %get3A_3, %get3A_4] : memref<2x1000x16xf32, #tpu.memory_space<vmem>>, vector<1x1000x16xf32>
    %get3A_6 = vector.shape_cast %get3A_5 : vector<1x1000x16xf32> to vector<1000x16xf32>
    %get3A_7 = arith.constant 1 : index
    %get3A_8 = arith.constant 0 : index
    %get3A_9 = arith.constant 0 : index
    %get3A_10 = vector.load %arg1[%get3A_7, %get3A_8, %get3A_9] : memref<2x1000x16xf32, #tpu.memory_space<vmem>>, vector<1x1000x16xf32>
    %get3A_11 = vector.shape_cast %get3A_10 : vector<1x1000x16xf32> to vector<1000x16xf32>
    %add3A = arith.addf %get3A_6, %get3A_11 : vector<1000x16xf32>
    %get3A_12 = arith.constant 0 : index
    %get3A_13 = arith.constant 0 : index
    %get3A_14 = vector.load %arg2[%get3A_12, %get3A_13] : memref<1000x16xf32, #tpu.memory_space<vmem>>, vector<1000x16xf32>
    %add3A_15 = arith.addf %add3A, %get3A_14 : vector<1000x16xf32>
    %mul3A = arith.mulf %get3A_1, %add3A_15 : vector<1000x16xf32>
    %get3A_16 = arith.constant 0 : index
    %get3A_17 = arith.constant 0 : index
    %get3A_18 = vector.load %arg4[%get3A_16, %get3A_17] : memref<16x256xf32, #tpu.memory_space<vmem>>, vector<16x256xf32>
    %dot_general3A = arith.constant dense<0.000000e+00> : vector<1000x256xf32>
    %dot_general3A_19 = tpu.matmul %mul3A, %get3A_18, %dot_general3A {dimension_numbers = #tpu.dot_dimension_numbers<[1], [0], [0], [1], [0, 0, 1, 1], [], []>, transpose_lhs_hint = false} : vector<1000x16xf32>, vector<16x256xf32>, vector<1000x256xf32> -> vector<1000x256xf32>
    %get3A_20 = arith.constant 0 : index
    %get3A_21 = arith.constant 0 : index
    %get3A_22 = vector.load %arg5[%get3A_20, %get3A_21] : memref<1x256xf32, #tpu.memory_space<vmem>>, vector<1x256xf32>
    %add3A_23 = vector.broadcast %get3A_22 : vector<1x256xf32> to vector<1000x256xf32>
    %add3A_24 = arith.addf %dot_general3A_19, %add3A_23 : vector<1000x256xf32>
    %reduce_max3A = arith.constant dense<0xFF800000> : vector<1000xf32>
    %reduce_max3A_25 = vector.multi_reduction <maximumf>, %add3A_24, %reduce_max3A [1] : vector<1000x256xf32> to vector<1000xf32>
    %broadcast_in_dim3A = vector.shape_cast %reduce_max3A_25 : vector<1000xf32> to vector<1000x1xf32>
    %sub3A = vector.broadcast %broadcast_in_dim3A : vector<1000x1xf32> to vector<1000x256xf32>
    %sub3A_26 = arith.subf %add3A_24, %sub3A : vector<1000x256xf32>
    %exp3A = math.exp %sub3A_26 : vector<1000x256xf32>
    %reduce_sum3A = arith.constant dense<0.000000e+00> : vector<1000xf32>
    %reduce_sum3A_27 = vector.multi_reduction <add>, %exp3A, %reduce_sum3A [1] : vector<1000x256xf32> to vector<1000xf32>
    %broadcast_in_dim3A_28 = vector.shape_cast %reduce_sum3A_27 : vector<1000xf32> to vector<1000x1xf32>
    %log3A = math.log %broadcast_in_dim3A_28 : vector<1000x1xf32>
    %add3A_29 = arith.addf %broadcast_in_dim3A, %log3A : vector<1000x1xf32>
    %sub3A_30 = vector.broadcast %add3A_29 : vector<1000x1xf32> to vector<1000x256xf32>
    %sub3A_31 = arith.subf %add3A_24, %sub3A_30 : vector<1000x256xf32>
    %swap3A = arith.constant 0 : index
    %swap3A_32 = arith.constant 0 : index
    %swap3A_33 = vector.load %arg6[%swap3A, %swap3A_32] : memref<1000x256xf32, #tpu.memory_space<vmem>>, vector<1000x256xf32>
    tpu.vector_store %arg6[%swap3A, %swap3A_32], %sub3A_31 {strides = array<i32>} : memref<1000x256xf32, #tpu.memory_space<vmem>>, vector<1000x256xf32>,
    return
  }
  func.func @transform_0(%arg0: i32) -> (i32, i32, i32) {
    %c0_i32 = arith.constant 0 : i32
    %c0_i32_0 = arith.constant 0 : i32
    %c0_i32_1 = arith.constant 0 : i32
    return %c0_i32, %arg0, %c0_i32_0 : i32, i32, i32
  }
  func.func @transform_1(%arg0: i32) -> (i32, i32) {
    %c0_i32 = arith.constant 0 : i32
    %c0_i32_0 = arith.constant 0 : i32
    return %arg0, %c0_i32 : i32, i32
  }
  func.func @transform_2(%arg0: i32) -> (i32, i32) {
    %c0_i32 = arith.constant 0 : i32
    %c0_i32_0 = arith.constant 0 : i32
    return %arg0, %c0_i32 : i32, i32
  }
  func.func @transform_3(%arg0: i32) -> (i32, i32) {
    %c0_i32 = arith.constant 0 : i32
    %c0_i32_0 = arith.constant 0 : i32
    %c0_i32_1 = arith.constant 0 : i32
    return %c0_i32, %c0_i32_0 : i32, i32
  }
  func.func @transform_4(%arg0: i32) -> (i32, i32) {
    %c0_i32 = arith.constant 0 : i32
    %c0_i32_0 = arith.constant 0 : i32
    %c0_i32_1 = arith.constant 0 : i32
    return %c0_i32, %c0_i32_0 : i32, i32
  }
  func.func @transform_5(%arg0: i32) -> (i32, i32) {
    %c0_i32 = arith.constant 0 : i32
    %c0_i32_0 = arith.constant 0 : i32
    return %arg0, %c0_i32 : i32, i32
  }
}

</mosaic_0001>

<sc_bundles>
// kernel: kernel.11.cloned.1.call-start
scs
__scs_entry_jumppad:
0x0: {  	(pc) =	sbr.rel $0x88, $3  }
0x1: {  	(tag) =	ssettag $0x0;
	lr =	simm.s32 $0x1  }
0x2: {  	[smem:$0x3F9B] =	sst lr;
	_ =	strace $0xD0000000  }
0x3: {  	_ = 	snop  }
0x4: {  	_ = 	snop  }
0x5: {  	_ = 	snop  }
0x6: {  	_ = 	snop  }
0x7: {  	_ = 	snop  }
__scs_overlays_trampoline_lowered:
0x8: {  	[smem:$0x3FAA] =	sst s0  }
0x9: {  	[smem:$0x3FAB] =	sst s1  }
0xa: {  	[smem:$0x3FAC] =	sst s2  }
0xb: {  	[smem:$0x3FAD] =	sst s3  }
0xc: {  	[smem:$0x3FAE] =	sst s4  }
0xd: {  	[smem:$0x3FAF] =	sst s5  }
0xe: {  	[smem:$0x3FB0] =	sst s6  }
0xf: {  	[smem:$0x3FB1] =	sst s7  }
0x10: {  	[smem:$0x3FB2] =	sst s8  }
0x11: {  	[smem:$0x3FB3] =	sst s9;
	s0 =	simm.s32 @!p0 $0x0  }
0x12: {  	s1 =	sld [smem:$0x3F99];
	s0 =	simm.s32 @p0 $0x1  }
0x13: {  	[smem:$0x3FB4] =	sst s0;
	s0 =	simm.s32 @!p1 $0x0  }
0x14: {  	s2 =	sld [smem:$0x3F98];
	s0 =	simm.s32 @p1 $0x1  }
0x15: {  	[smem:$0x3FB5] =	sst s0;
	s0 =	simm.s32 @!p2 $0x0  }
0x16: {  	s3 =	sld [smem:$0x3FDB];
	s0 =	simm.s32 @p2 $0x1  }
0x17: {  	s4 =	simm.s32 $0x1BF5;
	[smem:$0x3FB7] =	sst s0  }
0x18: {  	s0 =	sld [smem:$0x3F9A];
	_ =	swait.ge [sflag:s4], $0x0  }
0x19: {  	s7 =	sld [smem:$0x3F9B]  }
0x1a: {  	s8 =	sadd.s32 $0xFFFFE003, lr  }
0x1b: {  	s9 =	sadd.s32 $0xFFFFFEF7, lr;
	s5 =	simm.s32 $0xFFFFFFFF;
	p2 =	slt.u32 s8, $0xFFFFF086  }
0x1c: {  	p1 =	slt.u32 s9, $0xF7A;
	s5 =	simm.s32 @!p2 $0x0  }
0x1d: {  	s5 =	simm.s32 @p1 $0x1;
	p0 =	seq.s32 s7, s2  }
0x1e: {  	s7 =	smul.u32 @!p0 $0xF7A, s2;
	p2 =	seq.s32 @!p0 s5, $0x0  }
0x1f: {  	s9 =	smul.u32 $0xF7A, s1;
	s8 =	simm.s32 @!p0 $0x1BF5;
	p2 =	por !p2, p0  }
0x20: {  	[sflag:s8] =	ssyncset.s32 @!p0 $0xFFFFF086;
	s6 =	sadd.s32 @!p0 s3, s7;
	s7 =	simm.s32 @!p0 $0x108  }
0x21: {  	s3 =	sadd.s32 s3, s9;
	s6 =	sadd.s32 @!p0 $0x88, s6;
	s7 =	simm.s32 @p2 $0x1082  }
0x22: {  	[simem:s7], [sflag:s8] =	dma.local @!p0 [hbm:s6], $0xF7A  }
0x23: {  	s9 =	sor.u32 $0xD0000000, s2;
	s6 =	simm.s32 $0x108;
	_ =	swait.ge @!p0 [sflag:s8], $0x0  }
0x24: {  	s3 =	sadd.s32 $0x88, s3;
	s6 =	simm.s32 @!p1 $0x1082;
	[sflag:s4] =	ssyncset.s32 $0xFFFFF086  }
0x25: {  	[simem:s6], [sflag:s4] =	dma.local [hbm:s3], $0xF7A  }
0x26: {  	[smem:$0x3F9B] =	sst s1;
	(tag) =	ssettag s2;
	_ =	strace s9  }
0x27: {  	s1 =	sld [smem:$0x3FAB]  }
0x28: {  	s2 =	sld [smem:$0x3FAC]  }
0x29: {  	s4 =	sld [smem:$0x3FAE]  }
0x2a: {  	p0 =	seq.s32 s5, $0x0;
	s5 =	sld [smem:$0x3FAF]  }
0x2b: {  	s6 =	sld [smem:$0x3FB0]  }
0x2c: {  	s7 =	sld [smem:$0x3FB1]  }
0x2d: {  	s3 =	simm.s32 $0x108;
	s8 =	sld [smem:$0x3FB2]  }
0x2e: {  	s3 =	simm.s32 @!p0 $0x1082;
	s9 =	sld [smem:$0x3FB3]  }
0x2f: {  	lr =	sadd.s32 s0, s3;
	s0 =	sld [smem:$0x3FAA]  }
0x30: {  	s3 =	sld [smem:$0x3FAD]  }
0x31: {  	[smem:$0x3FB6] =	sst s10  }
0x32: {  	s10 =	sld [smem:$0x3FB4];
	_ =	sdelay $0x3  }
0x33: {  	p0 =	seq.s32 s10, $0x1;
	s10 =	sld [smem:$0x3FB6];
	_ =	sdelay $0x3  }
0x34: {  	[smem:$0x3FB6] =	sst s10  }
0x35: {  	s10 =	sld [smem:$0x3FB5];
	_ =	sdelay $0x3  }
0x36: {  	p1 =	seq.s32 s10, $0x1;
	s10 =	sld [smem:$0x3FB6];
	_ =	sdelay $0x3  }
0x37: {  	[smem:$0x3FB6] =	sst s10  }
0x38: {  	s10 =	sld [smem:$0x3FB7]  }
0x39: {  	_ = 	snop;
	(pc) =	sbr.ind lr, $3  }
0x3a: {  	_ = 	snop  }
0x3b: {  	_ = 	snop  }
0x3c: {  	p2 =	seq.s32 s10, $0x1;
	s10 =	sld [smem:$0x3FB6]  }
0x3d: {  	_ =	shalt  }
0x3e: {  	_ =	shalt  }
0x3f: {  	_ =	shalt  }
0x40: {  	_ =	shalt  }
0x41: {  	_ =	shalt  }
0x42: {  	_ =	shalt  }
0x43: {  	_ =	shalt  }
0x44: {  	_ =	shalt  }
0x45: {  	_ =	shalt  }
0x46: {  	_ =	shalt  }
0x47: {  	_ =	shalt  }
0x48: {  	_ =	shalt  }
0x49: {  	_ =	shalt  }
0x4a: {  	_ =	shalt  }
0x4b: {  	_ =	shalt  }
0x4c: {  	_ =	shalt  }
0x4d: {  	_ =	shalt  }
0x4e: {  	_ =	shalt  }
0x4f: {  	_ =	shalt  }
0x50: {  	_ =	shalt  }
0x51: {  	_ =	shalt  }
0x52: {  	_ =	shalt  }
0x53: {  	_ =	shalt  }
0x54: {  	_ =	shalt  }
0x55: {  	_ =	shalt  }
0x56: {  	_ =	shalt  }
0x57: {  	_ =	shalt  }
0x58: {  	_ =	shalt  }
0x59: {  	_ =	shalt  }
0x5a: {  	_ =	shalt  }
0x5b: {  	_ =	shalt  }
0x5c: {  	_ =	shalt  }
0x5d: {  	_ =	shalt  }
0x5e: {  	_ =	shalt  }
0x5f: {  	_ =	shalt  }
0x60: {  	_ =	shalt  }
0x61: {  	_ =	shalt  }
0x62: {  	_ =	shalt  }
0x63: {  	_ =	shalt  }
0x64: {  	_ =	shalt  }
0x65: {  	_ =	shalt  }
0x66: {  	_ =	shalt  }
0x67: {  	_ =	shalt  }
0x68: {  	_ =	shalt  }
0x69: {  	_ =	shalt  }
0x6a: {  	_ =	shalt  }
0x6b: {  	_ =	shalt  }
0x6c: {  	_ =	shalt  }
0x6d: {  	_ =	shalt  }
0x6e: {  	_ =	shalt  }
0x6f: {  	_ =	shalt  }
0x70: {  	_ =	shalt  }
0x71: {  	_ =	shalt  }
0x72: {  	_ =	shalt  }
0x73: {  	_ =	shalt  }
0x74: {  	_ =	shalt  }
0x75: {  	_ =	shalt  }
0x76: {  	_ =	shalt  }
0x77: {  	_ =	shalt  }
0x78: {  	_ =	shalt  }
0x79: {  	_ =	shalt  }
0x7a: {  	_ =	shalt  }
0x7b: {  	_ =	shalt  }
0x7c: {  	_ =	shalt  }
0x7d: {  	_ =	shalt  }
0x7e: {  	_ =	shalt  }
0x7f: {  	_ =	shalt  }
0x80: {  	_ =	shalt  }
0x81: {  	_ =	shalt  }
0x82: {  	_ =	shalt  }
0x83: {  	_ =	shalt  }
0x84: {  	_ =	shalt  }
0x85: {  	_ =	shalt  }
0x86: {  	_ =	shalt  }
0x87: {  	_ =	shalt  }
.Lfunc_end0:
.L_simem_size_0:
called_computation.1_lowered:
.L_overlay_start_0:
0x88: {  	s2 =	sld [smem:$0x3FD9]  }
0x89: {  	s3 =	sld [smem:$0x3FFE];
	_ =	sdelay $0x1  }
0x8a: {  	s1 =	srdreg.scid  }
0x8b: {  	s0 =	sand.u32 $0x1, s1  }
0x8c: {  	s17 =	sshll.u32 s0, $0xA;
	s2 =	sadd.s32 s3, s2  }
0x8d: {  	s2 =	sadd.s32 s2, s17  }
0x8e: {  	[smem:$0x3FC2] =	sst s2  }
0x8f: {  	_ = 	snop  }
0x90: {  	s2 =	sld [smem:$0x3FD0];
	(tm) =	ssettm $0x1  }
0x91: {  	s18 =	sld [smem:$0x3FFB];
	_ =	sdelay $0x3  }
0x92: {  	_ =	strace s18  }
0x93: {  	s3 =	sld [smem:$0x3FFC];
	_ =	sdelay $0x3  }
0x94: {  	_ =	strace s3  }
0x95: {  	s3 =	sld [smem:$0x3FFD];
	_ =	sdelay $0x3  }
0x96: {  	_ =	strace s3  }
0x97: {  	_ =	strace $0x8FFFFFFF  }
0x98: {  	s19 =	sld [smem:$0x3FDB];
	_ =	sdelay $0x1  }
0x99: {  	s4 =	simm.s32 $_scs_section_size  }
0x9a: {  	s5 =	simm.s32 $_size__tile_overlayer_lowered;
	s6 =	simm.s32 $_tile_overlayer_lowered  }
0x9b: {  	s22 =	simm.s32 $0x1BFF;
	s21 =	sshll.u32 s6, $0x1;
	s3 =	sadd.s32 s4, s19  }
0x9c: {  	s7 =	simm.s32 $0x0;
	s20 =	sshll.u32 s5, $0x1;
	s5 =	sadd.s32 s21, s3  }
0x9d: {  	[timem:s7], [sflag:s22] =	dma.local [hbm:s5], s20  }
0x9e: {  	_ =	swait.ge [sflag:s22], s20  }
0x9f: {  	s4 =	ssub.s32 $0x0, s20;
	[sflag:s22] =	ssyncset.done $0x0  }
0xa0: {  	[sflag:s22] =	ssyncadd.s32 s4;
	_ =	sdelay $0x1  }
0xa1: {  	s23 =	simm.s32 $0x1B8B  }
0xa2: {  	_ =	swait.ge [sflag:s23], $0x1  }
0xa3: {  	[sflag:s23] =	ssyncset.done $0x0  }
0xa4: {  	s25 =	simm.s32 $0x1B8E;
	s24 =	sld [smem:$0x3FFE];
	[sflag:s23] =	ssyncadd.s32 $0xFFFFFFFF  }
0xa5: {  	s26 =	simm.s32 $execute0_lowered;
	[smem:$0x3FD2] =	sst s25  }
0xa6: {  	s5 =	sshll.u32 s26, $0x1;
	_ =	strace $0x80000049;
	[dreg:$0x1] =	wrdreg $0xFFFFFFFF  }
0xa7: {  	s28 =	simm.s32 $_size_execute0_lowered;
	s3 =	sadd.s32 s3, s5;
	[dreg:$0x0] =	wrdreg $0x0  }
0xa8: {  	s5 =	sshll.u32 s28, $0x1;
	[dreg:$0x2] =	wrdreg s3  }
0xa9: {  	[dreg:$0x3] =	wrdreg s5  }
0xaa: {  	[dreg:$0x4] =	wrdreg $0xC0  }
0xab: {  	_ =	task [dreg:s7], $0x5FFFF  }
0xac: {  	[dreg:$0x1] =	wrdreg $0xFFFFFFFF  }
0xad: {  	[dreg:$0x0] =	wrdreg $0x60  }
0xae: {  	[dreg:$0x2] =	wrdreg s24  }
0xaf: {  	[dreg:$0x3] =	wrdreg s2  }
0xb0: {  	[dreg:$0x4] =	wrdreg $0x57800  }
0xb1: {  	[dreg:$0x5] =	wrdreg $0x9  }
0xb2: {  	_ =	task.clear_ibuf [dreg:s7], $0x6FFFF;
	_ =	strace $0x90000049  }
0xb3: {  	s29 =	simm.s32 $0x9;
	_ =	strace $0x8000004B  }
0xb4: {  	_ =	swait.ge [sflag:s29], $0x1  }
0xb5: {  	[sflag:s29] =	ssyncadd.s32 $0xFFFFFFFF  }
0xb6: {  	_ =	strace $0x9000004B  }
0xb7: {  	_ =	sfence  }
0xb8: {  	s30 =	sld [smem:$0x0];
	_ =	sdelay $0x2  }
0xb9: {  	s31 =	sshll.u32 s1, $0xD;
	s1 =	sshrl.u32 s1, $0x2  }
0xba: {  	s3 =	sand.u32 $0x4000, s31;
	s1 =	sadd.s32 s1, s30  }
0xbb: {  	s0 =	sor.u32 s3, s0;
	s1 =	sshll.u32 s1, $0x11  }
0xbc: {  	s0 =	sor.u32 s1, s0  }
0xbd: {  	s0 =	sadd.s32 $0x8F2B, s0  }
0xbe: {  	[sflag:s0] =	ssyncadd.remote.s32 $0x1  }
0xbf: {  	_ =	sfence.sel $0xFFFF  }
0xc0: {  	[dreg:$0x0] =	wrdreg $0xFFFFFFFF;
	(pc) =	sbr.abs _section_cstart, $3  }
0xc1: {  	[dreg:$0x1] =	wrdreg $0xFFFFFFFF  }
0xc2: {  	_ =	task.clear_ibuf [dreg:s7], $0x2FFFF;
	_ =	strace $0x9FFFFFFF  }
0xc3: {  	(tm) =	ssettm $0x7FFFFFFF  }
tec
execute0_lowered:
.L_overlay_start_1:
0x0: {  	(tag) =	ssettag $0x1  }
0x1: {  	s5 =	rddreg [dreg:$0x0]  }
0x2: {  	s1 =	srdreg.scid;
	s8 =	rddreg [dreg:$0x1]  }
0x3: {  	s0 =	stileid.u32;
	s2 =	rddreg [dreg:$0x2];
	s3 =	simm.s32 $0x0  }
0x4: {  	s13 =	simm.s32 $0x80;
	s14 =	simm.s32 $0x2800;
	s15 =	simm.s32 $0x1  }
0x5: {  	s4 =	sand.u32 $0x1, s1;
	s31 =	sshll.u32 s0, $0x1;
	s7 =	smul.u32 $0x2780, s0  }
0x6: {  	[smem:$0x7FF] =	sst s3;
	s16 =	sshll.u32 s0, $0x6;
	s1 =	sor.u32 s4, s31  }
0x7: {  	s9 =	ssub.s32 $0x2, s4;
	s10 =	smul.u32 $0x27800, s4;
	s4 =	sadd.s32 $0xBA00, s5  }
0x8: {  	s16 =	sor.u32 $0x1C02, s16;
	s6 =	smul.u32 $0x280, s1;
	s11 =	sshrl.u32 s9, $0x1  }
0x9: {  	s1 =	rddreg [dreg:$0x3];
	_ =	strace $0x8000004A;
	s9 =	ssub.s32 s9, s11  }
0xa: {  	s10 =	sadd.s32 s7, s10;
	s11 =	simm.s32 $0x2;
	s12 =	sadd.s32 s6, s5  }
0xb: {  	s5 =	sadd.s32 s7, s2;
	s10 =	sshrl.u32 s10, $0x3;
	s9 =	smax.u32 s9, $0x1  }
0xc: {  	s6 =	sadd.s32 $0x6A00, s12;
	s7 =	sadd.s32 $0x1A00, s12;
	s8 =	sadd.s32 s8, s10  }
0xd: {  	v0 =	vimm.f32 $0.0e+00;
	s10 =	simm.s32 $0x3000;
	s12 =	simm.s32 $0x1400;
	s17 =	sshrl.u32 s5, $0x3  }
.LBB2_1:
0xe: {  	s18 =	simm.s32 $0x40;
	s19 =	simm.s32 $0x0  }
.LBB2_2:
0xf: {  	p0 =	sne.s32 s18, $0x9DC0;
	[tilespmem:s19+$0x3000] =	vst v0;
	s19 =	smov.u32 s18;
	s18 =	sadd.s32 $0x40, s18  }
.Ltmp0:
0x10: {  	(pc) =	sbr.rel @p0 .LBB2_2-.Ltmp0, $2  }
0x11: {  	_ =	sdelay $0x2  }
0x12: {  	s19 =	sshra.s32 s19, $0x2  }
0x13: {  	[tilespmem:s19+$0x3000] =	vst v0  }
0x14: {  	[spmem:s5] =	stream.linear.scatter [tilespmem:s10], [sflag:$0x2], $0x2780, $0x38;
	[tilespmem:$0x7F00] =	vst v63  }
0x15: {  	_ =	swait.ge [sflag:s11], $0x2780  }
0x16: {  	[sflag:s11] =	ssyncset.done $0x0  }
0x17: {  	s18 =	simm.s32 $0x0;
	[sflag:s11] =	ssyncadd.s32 $0xFFFFD880  }
0x18: {  	[tilespmem:s18], [sflag:$0x2] =	stream.linear.gather [hbm4b:s6+s18], $0x1400, $0x38;
	[tilespmem:$0x7F00] =	vst v63  }
0x19: {  	_ =	swait.ge [sflag:s11], $0x1400  }
0x1a: {  	[sflag:s11] =	ssyncset.done $0x0  }
0x1b: {  	[sflag:s11] =	ssyncadd.s32 $0xFFFFEC00  }
0x1c: {  	[tilespmem:s12], [sflag:$0x2] =	stream.linear.gather [hbm4b:s7+s18], $0x1400, $0x38;
	[tilespmem:$0x7F00] =	vst v63  }
0x1d: {  	_ =	swait.ge [sflag:s11], $0x1400  }
0x1e: {  	[sflag:s11] =	ssyncset.done $0x0  }
0x1f: {  	[sflag:s11] =	ssyncadd.s32 $0xFFFFEC00  }
0x20: {  	s30 =	simm.s32 $0x0;
	[bflag:$0x0] =	sbarrier.arrive $0xFFFF  }
0x21: {  	[tilespmem:s14], [sflag:$0x1] =	stream.indirect.gather [hbm4b:s4+s13], $0x10, s30, s13, $0xb8;
	[tilespmem:$0x7F00] =	vst v63  }
0x22: {  	_ =	swait.ge [sflag:s15], $0x800  }
0x23: {  	[sflag:s15] =	ssyncset.done $0x0  }
0x24: {  	s31 =	simm.s32 $0x1400;
	[sflag:s15] =	ssyncadd.s32 $0xFFFFF800  }
0x25: {  	[spmem:s2] =	stream.indirect.scatter.add.f32 [tilespmem:s14], [sflag:$0x2], $0x10, s31, s13, $0xb8;
	[tilespmem:$0x7F00] =	vst v63  }
0x26: {  	_ =	swait.ge [sflag:s11], $0x800  }
0x27: {  	s19 =	simm.s32 $0x400;
	s18 =	simm.s32 $0x200;
	[sflag:s11] =	ssyncset.done $0x0  }
.LBB2_4:
0x28: {  	s20 =	sshra.s32 s18, $0x2  }
0x29: {  	[sflag:s11] =	ssyncadd.s32 $0xFFFFF800;
	s18 =	smov.u32 s19;
	s21 =	sadd.s32 $0x200, s19  }
0x2a: {  	[tilespmem:s14], [sflag:$0x1] =	stream.indirect.gather [hbm4b:s4+s13], $0x10, s20, s13, $0xb8;
	[tilespmem:$0x7F00] =	vst v63  }
0x2b: {  	p0 =	sne.s32 s19, $0x4E00;
	_ =	swait.ge [sflag:s15], $0x800  }
.Ltmp1:
0x2c: {  	[sflag:s15] =	ssyncset.done $0x0;
	(pc) =	sbr.rel @p0 .LBB2_4-.Ltmp1, $4  }
0x2d: {  	s19 =	sadd.s32 $0x1400, s20;
	[sflag:s15] =	ssyncadd.s32 $0xFFFFF800  }
0x2e: {  	[spmem:s2] =	stream.indirect.scatter.add.f32 [tilespmem:s14], [sflag:$0x2], $0x10, s19, s13, $0xb8;
	[tilespmem:$0x7F00] =	vst v63  }
0x2f: {  	_ =	swait.ge [sflag:s11], $0x800  }
0x30: {  	s19 =	smov.u32 s21;
	[sflag:s11] =	ssyncset.done $0x0  }
0x31: {  	s18 =	sshra.s32 s18, $0x2;
	[sflag:s11] =	ssyncadd.s32 $0xFFFFF800  }
0x32: {  	[tilespmem:s14], [sflag:$0x1] =	stream.indirect.gather [hbm4b:s4+s13], $0x10, s18, s13, $0xb8;
	[tilespmem:$0x7F00] =	vst v63  }
0x33: {  	_ =	swait.ge [sflag:s15], $0x800  }
0x34: {  	[sflag:s15] =	ssyncset.done $0x0  }
0x35: {  	s18 =	sadd.s32 $0x1400, s18;
	[sflag:s15] =	ssyncadd.s32 $0xFFFFF800  }
0x36: {  	[spmem:s2] =	stream.indirect.scatter.add.f32 [tilespmem:s14], [sflag:$0x2], $0x10, s18, s13, $0xb8;
	[tilespmem:$0x7F00] =	vst v63  }
0x37: {  	_ =	swait.ge [sflag:s11], $0x800  }
0x38: {  	s3 =	sadd.s32 $0x1, s3;
	[sflag:s11] =	ssyncset.done $0x0  }
0x39: {  	p0 =	sne.s32 s3, s9;
	[sflag:s11] =	ssyncadd.s32 $0xFFFFF800  }
.Ltmp2:
0x3a: {  	[bflag:$0x0] =	sbarrier.arrive $0xFFFF;
	(pc) =	sbr.rel @p0 .LBB2_1-.Ltmp2, $4  }
0x3b: {  	[hbm:s8], [sflag:s16] =	dma.local [spmem:s17], $0x4F0  }
0x3c: {  	_ =	swait.ge [sflag:s11], $0x4F0  }
0x3d: {  	[sflag:s11] =	ssyncset.done $0x0  }
0x3e: {  	[sflag:s11] =	ssyncadd.s32 $0xFFFFFB10  }
0x3f: {  	_ =	sfence.sel $0x180000  }
0x40: {  	[bflag:$0x0] =	sbarrier.arrive $0xFFFF  }
0x41: {  	p0 =	sne.s32 s0, $0x0;
	_ =	strace $0x9000004A  }
0x42: {  	s0 =	sadd.s32 @!p0 $0x100000, s1;
	[bflag:$0x2] =	sbarrier.arrive $0xFFFF  }
0x43: {  	[sflag:s0] =	ssyncadd.tile.s32 @!p0 $0x1;
	_ =	shalt  }
.Lfunc_end2:
_tile_overlayer_lowered:
.L_overlay_start_2:
0x44: {  	(tag) =	ssettag $0x2  }
0x45: {  	s0 =	rddreg [dreg:$0x0];
	s2 =	stileid.u32  }
0x46: {  	s1 =	rddreg [dreg:$0x1];
	p0 =	sne.s32 s2, $0x0  }
0x47: {  	s3 =	rddreg [dreg:$0x2];
	[bflag:$0x3] =	sbarrier.arrive $0xFFFF;
	s2 =	simm.s32 @!p0 $0x1C02  }
0x48: {  	[timem:s3], [sflag:s2] =	dma.local @!p0 [hbm:s0], s1  }
0x49: {  	s0 =	simm.s32 @!p0 $0x2  }
0x4a: {  	_ =	swait.ge @!p0 [sflag:s0], s1  }
0x4b: {  	s1 =	ssub.s32 @!p0 $0x0, s1;
	[sflag:s0] =	ssyncset.done @!p0 $0x0  }
0x4c: {  	[sflag:s0] =	ssyncadd.s32 @!p0 s1  }
0x4d: {  	[bflag:$0x3] =	sbarrier.arrive $0xFFFF  }
0x4e: {  	_ =	shalt  }

// kernel: kernel.14.cloned.1.call-start
scs
__scs_entry_jumppad:
0x0: {  	(pc) =	sbr.rel $0x88, $3  }
0x1: {  	(tag) =	ssettag $0x0;
	lr =	simm.s32 $0x1  }
0x2: {  	[smem:$0x3F9B] =	sst lr;
	_ =	strace $0xD0000000  }
0x3: {  	_ = 	snop  }
0x4: {  	_ = 	snop  }
0x5: {  	_ = 	snop  }
0x6: {  	_ = 	snop  }
0x7: {  	_ = 	snop  }
__scs_overlays_trampoline_lowered:
0x8: {  	[smem:$0x3FAA] =	sst s0  }
0x9: {  	[smem:$0x3FAB] =	sst s1  }
0xa: {  	[smem:$0x3FAC] =	sst s2  }
0xb: {  	[smem:$0x3FAD] =	sst s3  }
0xc: {  	[smem:$0x3FAE] =	sst s4  }
0xd: {  	[smem:$0x3FAF] =	sst s5  }
0xe: {  	[smem:$0x3FB0] =	sst s6  }
0xf: {  	[smem:$0x3FB1] =	sst s7  }
0x10: {  	[smem:$0x3FB2] =	sst s8  }
0x11: {  	[smem:$0x3FB3] =	sst s9;
	s0 =	simm.s32 @!p0 $0x0  }
0x12: {  	s1 =	sld [smem:$0x3F99];
	s0 =	simm.s32 @p0 $0x1  }
0x13: {  	[smem:$0x3FB4] =	sst s0;
	s0 =	simm.s32 @!p1 $0x0  }
0x14: {  	s2 =	sld [smem:$0x3F98];
	s0 =	simm.s32 @p1 $0x1  }
0x15: {  	[smem:$0x3FB5] =	sst s0;
	s0 =	simm.s32 @!p2 $0x0  }
0x16: {  	s3 =	sld [smem:$0x3FDB];
	s0 =	simm.s32 @p2 $0x1  }
0x17: {  	s4 =	simm.s32 $0x1BF5;
	[smem:$0x3FB7] =	sst s0  }
0x18: {  	s0 =	sld [smem:$0x3F9A];
	_ =	swait.ge [sflag:s4], $0x0  }
0x19: {  	s7 =	sld [smem:$0x3F9B]  }
0x1a: {  	s8 =	sadd.s32 $0xFFFFE003, lr  }
0x1b: {  	s9 =	sadd.s32 $0xFFFFFEF7, lr;
	s5 =	simm.s32 $0xFFFFFFFF;
	p2 =	slt.u32 s8, $0xFFFFF086  }
0x1c: {  	p1 =	slt.u32 s9, $0xF7A;
	s5 =	simm.s32 @!p2 $0x0  }
0x1d: {  	s5 =	simm.s32 @p1 $0x1;
	p0 =	seq.s32 s7, s2  }
0x1e: {  	s7 =	smul.u32 @!p0 $0xF7A, s2;
	p2 =	seq.s32 @!p0 s5, $0x0  }
0x1f: {  	s9 =	smul.u32 $0xF7A, s1;
	s8 =	simm.s32 @!p0 $0x1BF5;
	p2 =	por !p2, p0  }
0x20: {  	[sflag:s8] =	ssyncset.s32 @!p0 $0xFFFFF086;
	s6 =	sadd.s32 @!p0 s3, s7;
	s7 =	simm.s32 @!p0 $0x108  }
0x21: {  	s3 =	sadd.s32 s3, s9;
	s6 =	sadd.s32 @!p0 $0x88, s6;
	s7 =	simm.s32 @p2 $0x1082  }
0x22: {  	[simem:s7], [sflag:s8] =	dma.local @!p0 [hbm:s6], $0xF7A  }
0x23: {  	s9 =	sor.u32 $0xD0000000, s2;
	s6 =	simm.s32 $0x108;
	_ =	swait.ge @!p0 [sflag:s8], $0x0  }
0x24: {  	s3 =	sadd.s32 $0x88, s3;
	s6 =	simm.s32 @!p1 $0x1082;
	[sflag:s4] =	ssyncset.s32 $0xFFFFF086  }
0x25: {  	[simem:s6], [sflag:s4] =	dma.local [hbm:s3], $0xF7A  }
0x26: {  	[smem:$0x3F9B] =	sst s1;
	(tag) =	ssettag s2;
	_ =	strace s9  }
0x27: {  	s1 =	sld [smem:$0x3FAB]  }
0x28: {  	s2 =	sld [smem:$0x3FAC]  }
0x29: {  	s4 =	sld [smem:$0x3FAE]  }
0x2a: {  	p0 =	seq.s32 s5, $0x0;
	s5 =	sld [smem:$0x3FAF]  }
0x2b: {  	s6 =	sld [smem:$0x3FB0]  }
0x2c: {  	s7 =	sld [smem:$0x3FB1]  }
0x2d: {  	s3 =	simm.s32 $0x108;
	s8 =	sld [smem:$0x3FB2]  }
0x2e: {  	s3 =	simm.s32 @!p0 $0x1082;
	s9 =	sld [smem:$0x3FB3]  }
0x2f: {  	lr =	sadd.s32 s0, s3;
	s0 =	sld [smem:$0x3FAA]  }
0x30: {  	s3 =	sld [smem:$0x3FAD]  }
0x31: {  	[smem:$0x3FB6] =	sst s10  }
0x32: {  	s10 =	sld [smem:$0x3FB4];
	_ =	sdelay $0x3  }
0x33: {  	p0 =	seq.s32 s10, $0x1;
	s10 =	sld [smem:$0x3FB6];
	_ =	sdelay $0x3  }
0x34: {  	[smem:$0x3FB6] =	sst s10  }
0x35: {  	s10 =	sld [smem:$0x3FB5];
	_ =	sdelay $0x3  }
0x36: {  	p1 =	seq.s32 s10, $0x1;
	s10 =	sld [smem:$0x3FB6];
	_ =	sdelay $0x3  }
0x37: {  	[smem:$0x3FB6] =	sst s10  }
0x38: {  	s10 =	sld [smem:$0x3FB7]  }
0x39: {  	_ = 	snop;
	(pc) =	sbr.ind lr, $3  }
0x3a: {  	_ = 	snop  }
0x3b: {  	_ = 	snop  }
0x3c: {  	p2 =	seq.s32 s10, $0x1;
	s10 =	sld [smem:$0x3FB6]  }
0x3d: {  	_ =	shalt  }
0x3e: {  	_ =	shalt  }
0x3f: {  	_ =	shalt  }
0x40: {  	_ =	shalt  }
0x41: {  	_ =	shalt  }
0x42: {  	_ =	shalt  }
0x43: {  	_ =	shalt  }
0x44: {  	_ =	shalt  }
0x45: {  	_ =	shalt  }
0x46: {  	_ =	shalt  }
0x47: {  	_ =	shalt  }
0x48: {  	_ =	shalt  }
0x49: {  	_ =	shalt  }
0x4a: {  	_ =	shalt  }
0x4b: {  	_ =	shalt  }
0x4c: {  	_ =	shalt  }
0x4d: {  	_ =	shalt  }
0x4e: {  	_ =	shalt  }
0x4f: {  	_ =	shalt  }
0x50: {  	_ =	shalt  }
0x51: {  	_ =	shalt  }
0x52: {  	_ =	shalt  }
0x53: {  	_ =	shalt  }
0x54: {  	_ =	shalt  }
0x55: {  	_ =	shalt  }
0x56: {  	_ =	shalt  }
0x57: {  	_ =	shalt  }
0x58: {  	_ =	shalt  }
0x59: {  	_ =	shalt  }
0x5a: {  	_ =	shalt  }
0x5b: {  	_ =	shalt  }
0x5c: {  	_ =	shalt  }
0x5d: {  	_ =	shalt  }
0x5e: {  	_ =	shalt  }
0x5f: {  	_ =	shalt  }
0x60: {  	_ =	shalt  }
0x61: {  	_ =	shalt  }
0x62: {  	_ =	shalt  }
0x63: {  	_ =	shalt  }
0x64: {  	_ =	shalt  }
0x65: {  	_ =	shalt  }
0x66: {  	_ =	shalt  }
0x67: {  	_ =	shalt  }
0x68: {  	_ =	shalt  }
0x69: {  	_ =	shalt  }
0x6a: {  	_ =	shalt  }
0x6b: {  	_ =	shalt  }
0x6c: {  	_ =	shalt  }
0x6d: {  	_ =	shalt  }
0x6e: {  	_ =	shalt  }
0x6f: {  	_ =	shalt  }
0x70: {  	_ =	shalt  }
0x71: {  	_ =	shalt  }
0x72: {  	_ =	shalt  }
0x73: {  	_ =	shalt  }
0x74: {  	_ =	shalt  }
0x75: {  	_ =	shalt  }
0x76: {  	_ =	shalt  }
0x77: {  	_ =	shalt  }
0x78: {  	_ =	shalt  }
0x79: {  	_ =	shalt  }
0x7a: {  	_ =	shalt  }
0x7b: {  	_ =	shalt  }
0x7c: {  	_ =	shalt  }
0x7d: {  	_ =	shalt  }
0x7e: {  	_ =	shalt  }
0x7f: {  	_ =	shalt  }
0x80: {  	_ =	shalt  }
0x81: {  	_ =	shalt  }
0x82: {  	_ =	shalt  }
0x83: {  	_ =	shalt  }
0x84: {  	_ =	shalt  }
0x85: {  	_ =	shalt  }
0x86: {  	_ =	shalt  }
0x87: {  	_ =	shalt  }
.Lfunc_end0:
.L_simem_size_0:
called_computation.2_lowered:
.L_overlay_start_0:
0x88: {  	s2 =	sld [smem:$0x3FD9]  }
0x89: {  	s3 =	sld [smem:$0x3FFE];
	_ =	sdelay $0x1  }
0x8a: {  	s1 =	srdreg.scid  }
0x8b: {  	s0 =	sand.u32 $0x1, s1  }
0x8c: {  	s17 =	sshll.u32 s0, $0xA;
	s2 =	sadd.s32 s3, s2  }
0x8d: {  	s2 =	sadd.s32 s2, s17  }
0x8e: {  	[smem:$0x3FC2] =	sst s2  }
0x8f: {  	_ = 	snop  }
0x90: {  	s2 =	sld [smem:$0x3FD0];
	(tm) =	ssettm $0x1  }
0x91: {  	s18 =	sld [smem:$0x3FFB];
	_ =	sdelay $0x3  }
0x92: {  	_ =	strace s18  }
0x93: {  	s3 =	sld [smem:$0x3FFC];
	_ =	sdelay $0x3  }
0x94: {  	_ =	strace s3  }
0x95: {  	s3 =	sld [smem:$0x3FFD];
	_ =	sdelay $0x3  }
0x96: {  	_ =	strace s3  }
0x97: {  	_ =	strace $0x8FFFFFFF  }
0x98: {  	s19 =	sld [smem:$0x3FDB];
	_ =	sdelay $0x1  }
0x99: {  	s4 =	simm.s32 $_scs_section_size  }
0x9a: {  	s5 =	simm.s32 $_size__tile_overlayer_lowered;
	s6 =	simm.s32 $_tile_overlayer_lowered  }
0x9b: {  	s22 =	simm.s32 $0x1BFF;
	s21 =	sshll.u32 s6, $0x1;
	s3 =	sadd.s32 s4, s19  }
0x9c: {  	s7 =	simm.s32 $0x0;
	s20 =	sshll.u32 s5, $0x1;
	s5 =	sadd.s32 s21, s3  }
0x9d: {  	[timem:s7], [sflag:s22] =	dma.local [hbm:s5], s20  }
0x9e: {  	_ =	swait.ge [sflag:s22], s20  }
0x9f: {  	s4 =	ssub.s32 $0x0, s20;
	[sflag:s22] =	ssyncset.done $0x0  }
0xa0: {  	[sflag:s22] =	ssyncadd.s32 s4;
	_ =	sdelay $0x1  }
0xa1: {  	s23 =	simm.s32 $0x1B8B  }
0xa2: {  	_ =	swait.ge [sflag:s23], $0x1  }
0xa3: {  	[sflag:s23] =	ssyncset.done $0x0  }
0xa4: {  	s25 =	simm.s32 $0x1B8E;
	s24 =	sld [smem:$0x3FFE];
	[sflag:s23] =	ssyncadd.s32 $0xFFFFFFFF  }
0xa5: {  	s26 =	simm.s32 $execute0_lowered;
	[smem:$0x3FD2] =	sst s25  }
0xa6: {  	s5 =	sshll.u32 s26, $0x1;
	_ =	strace $0x8000004C;
	[dreg:$0x1] =	wrdreg $0xFFFFFFFF  }
0xa7: {  	s28 =	simm.s32 $_size_execute0_lowered;
	s3 =	sadd.s32 s3, s5;
	[dreg:$0x0] =	wrdreg $0x0  }
0xa8: {  	s5 =	sshll.u32 s28, $0x1;
	[dreg:$0x2] =	wrdreg s3  }
0xa9: {  	[dreg:$0x3] =	wrdreg s5  }
0xaa: {  	[dreg:$0x4] =	wrdreg $0xC0  }
0xab: {  	_ =	task [dreg:s7], $0x5FFFF  }
0xac: {  	[dreg:$0x1] =	wrdreg $0xFFFFFFFF  }
0xad: {  	[dreg:$0x0] =	wrdreg $0x60  }
0xae: {  	[dreg:$0x2] =	wrdreg s24  }
0xaf: {  	[dreg:$0x3] =	wrdreg s2  }
0xb0: {  	[dreg:$0x4] =	wrdreg $0x57800  }
0xb1: {  	[dreg:$0x5] =	wrdreg $0x9  }
0xb2: {  	_ =	task.clear_ibuf [dreg:s7], $0x6FFFF;
	_ =	strace $0x9000004C  }
0xb3: {  	s29 =	simm.s32 $0x9;
	_ =	strace $0x8000004E  }
0xb4: {  	_ =	swait.ge [sflag:s29], $0x1  }
0xb5: {  	[sflag:s29] =	ssyncadd.s32 $0xFFFFFFFF  }
0xb6: {  	_ =	strace $0x9000004E  }
0xb7: {  	_ =	sfence  }
0xb8: {  	s30 =	sld [smem:$0x0];
	_ =	sdelay $0x2  }
0xb9: {  	s31 =	sshll.u32 s1, $0xD;
	s1 =	sshrl.u32 s1, $0x2  }
0xba: {  	s3 =	sand.u32 $0x4000, s31;
	s1 =	sadd.s32 s1, s30  }
0xbb: {  	s0 =	sor.u32 s3, s0;
	s1 =	sshll.u32 s1, $0x11  }
0xbc: {  	s0 =	sor.u32 s1, s0  }
0xbd: {  	s0 =	sadd.s32 $0x8F2B, s0  }
0xbe: {  	[sflag:s0] =	ssyncadd.remote.s32 $0x1  }
0xbf: {  	_ =	sfence.sel $0xFFFF  }
0xc0: {  	[dreg:$0x0] =	wrdreg $0xFFFFFFFF;
	(pc) =	sbr.abs _section_cstart, $3  }
0xc1: {  	[dreg:$0x1] =	wrdreg $0xFFFFFFFF  }
0xc2: {  	_ =	task.clear_ibuf [dreg:s7], $0x2FFFF;
	_ =	strace $0x9FFFFFFF  }
0xc3: {  	(tm) =	ssettm $0x7FFFFFFF  }
tec
execute0_lowered:
.L_overlay_start_1:
0x0: {  	(tag) =	ssettag $0x1  }
0x1: {  	s5 =	rddreg [dreg:$0x0]  }
0x2: {  	s1 =	srdreg.scid;
	s8 =	rddreg [dreg:$0x1]  }
0x3: {  	s0 =	stileid.u32;
	s2 =	rddreg [dreg:$0x2];
	s3 =	simm.s32 $0x0  }
0x4: {  	s13 =	simm.s32 $0x80;
	s14 =	simm.s32 $0x2800;
	s15 =	simm.s32 $0x1  }
0x5: {  	s4 =	sand.u32 $0x1, s1;
	s31 =	sshll.u32 s0, $0x1;
	s7 =	smul.u32 $0x2780, s0  }
0x6: {  	[smem:$0x7FF] =	sst s3;
	s16 =	sshll.u32 s0, $0x6;
	s1 =	sor.u32 s4, s31  }
0x7: {  	s9 =	ssub.s32 $0x2, s4;
	s10 =	smul.u32 $0x27800, s4;
	s4 =	sadd.s32 $0xBA00, s5  }
0x8: {  	s16 =	sor.u32 $0x1C02, s16;
	s6 =	smul.u32 $0x280, s1;
	s11 =	sshrl.u32 s9, $0x1  }
0x9: {  	s1 =	rddreg [dreg:$0x3];
	_ =	strace $0x8000004D;
	s9 =	ssub.s32 s9, s11  }
0xa: {  	s10 =	sadd.s32 s7, s10;
	s11 =	simm.s32 $0x2;
	s12 =	sadd.s32 s6, s5  }
0xb: {  	s5 =	sadd.s32 s7, s2;
	s10 =	sshrl.u32 s10, $0x3;
	s9 =	smax.u32 s9, $0x1  }
0xc: {  	s6 =	sadd.s32 $0x6A00, s12;
	s7 =	sadd.s32 $0x1A00, s12;
	s8 =	sadd.s32 s8, s10  }
0xd: {  	v0 =	vimm.f32 $0.0e+00;
	s10 =	simm.s32 $0x3000;
	s12 =	simm.s32 $0x1400;
	s17 =	sshrl.u32 s5, $0x3  }
.LBB2_1:
0xe: {  	s18 =	simm.s32 $0x40;
	s19 =	simm.s32 $0x0  }
.LBB2_2:
0xf: {  	p0 =	sne.s32 s18, $0x9DC0;
	[tilespmem:s19+$0x3000] =	vst v0;
	s19 =	smov.u32 s18;
	s18 =	sadd.s32 $0x40, s18  }
.Ltmp0:
0x10: {  	(pc) =	sbr.rel @p0 .LBB2_2-.Ltmp0, $2  }
0x11: {  	_ =	sdelay $0x2  }
0x12: {  	s19 =	sshra.s32 s19, $0x2  }
0x13: {  	[tilespmem:s19+$0x3000] =	vst v0  }
0x14: {  	[spmem:s5] =	stream.linear.scatter [tilespmem:s10], [sflag:$0x2], $0x2780, $0x38;
	[tilespmem:$0x7F00] =	vst v63  }
0x15: {  	_ =	swait.ge [sflag:s11], $0x2780  }
0x16: {  	[sflag:s11] =	ssyncset.done $0x0  }
0x17: {  	s18 =	simm.s32 $0x0;
	[sflag:s11] =	ssyncadd.s32 $0xFFFFD880  }
0x18: {  	[tilespmem:s18], [sflag:$0x2] =	stream.linear.gather [hbm4b:s6+s18], $0x1400, $0x38;
	[tilespmem:$0x7F00] =	vst v63  }
0x19: {  	_ =	swait.ge [sflag:s11], $0x1400  }
0x1a: {  	[sflag:s11] =	ssyncset.done $0x0  }
0x1b: {  	[sflag:s11] =	ssyncadd.s32 $0xFFFFEC00  }
0x1c: {  	[tilespmem:s12], [sflag:$0x2] =	stream.linear.gather [hbm4b:s7+s18], $0x1400, $0x38;
	[tilespmem:$0x7F00] =	vst v63  }
0x1d: {  	_ =	swait.ge [sflag:s11], $0x1400  }
0x1e: {  	[sflag:s11] =	ssyncset.done $0x0  }
0x1f: {  	[sflag:s11] =	ssyncadd.s32 $0xFFFFEC00  }
0x20: {  	s30 =	simm.s32 $0x0;
	[bflag:$0x0] =	sbarrier.arrive $0xFFFF  }
0x21: {  	[tilespmem:s14], [sflag:$0x1] =	stream.indirect.gather [hbm4b:s4+s13], $0x10, s30, s13, $0xb8;
	[tilespmem:$0x7F00] =	vst v63  }
0x22: {  	_ =	swait.ge [sflag:s15], $0x800  }
0x23: {  	[sflag:s15] =	ssyncset.done $0x0  }
0x24: {  	s31 =	simm.s32 $0x1400;
	[sflag:s15] =	ssyncadd.s32 $0xFFFFF800  }
0x25: {  	[spmem:s2] =	stream.indirect.scatter.add.f32 [tilespmem:s14], [sflag:$0x2], $0x10, s31, s13, $0xb8;
	[tilespmem:$0x7F00] =	vst v63  }
0x26: {  	_ =	swait.ge [sflag:s11], $0x800  }
0x27: {  	s19 =	simm.s32 $0x400;
	s18 =	simm.s32 $0x200;
	[sflag:s11] =	ssyncset.done $0x0  }
.LBB2_4:
0x28: {  	s20 =	sshra.s32 s18, $0x2  }
0x29: {  	[sflag:s11] =	ssyncadd.s32 $0xFFFFF800;
	s18 =	smov.u32 s19;
	s21 =	sadd.s32 $0x200, s19  }
0x2a: {  	[tilespmem:s14], [sflag:$0x1] =	stream.indirect.gather [hbm4b:s4+s13], $0x10, s20, s13, $0xb8;
	[tilespmem:$0x7F00] =	vst v63  }
0x2b: {  	p0 =	sne.s32 s19, $0x4E00;
	_ =	swait.ge [sflag:s15], $0x800  }
.Ltmp1:
0x2c: {  	[sflag:s15] =	ssyncset.done $0x0;
	(pc) =	sbr.rel @p0 .LBB2_4-.Ltmp1, $4  }
0x2d: {  	s19 =	sadd.s32 $0x1400, s20;
	[sflag:s15] =	ssyncadd.s32 $0xFFFFF800  }
0x2e: {  	[spmem:s2] =	stream.indirect.scatter.add.f32 [tilespmem:s14], [sflag:$0x2], $0x10, s19, s13, $0xb8;
	[tilespmem:$0x7F00] =	vst v63  }
0x2f: {  	_ =	swait.ge [sflag:s11], $0x800  }
0x30: {  	s19 =	smov.u32 s21;
	[sflag:s11] =	ssyncset.done $0x0  }
0x31: {  	s18 =	sshra.s32 s18, $0x2;
	[sflag:s11] =	ssyncadd.s32 $0xFFFFF800  }
0x32: {  	[tilespmem:s14], [sflag:$0x1] =	stream.indirect.gather [hbm4b:s4+s13], $0x10, s18, s13, $0xb8;
	[tilespmem:$0x7F00] =	vst v63  }
0x33: {  	_ =	swait.ge [sflag:s15], $0x800  }
0x34: {  	[sflag:s15] =	ssyncset.done $0x0  }
0x35: {  	s18 =	sadd.s32 $0x1400, s18;
	[sflag:s15] =	ssyncadd.s32 $0xFFFFF800  }
0x36: {  	[spmem:s2] =	stream.indirect.scatter.add.f32 [tilespmem:s14], [sflag:$0x2], $0x10, s18, s13, $0xb8;
	[tilespmem:$0x7F00] =	vst v63  }
0x37: {  	_ =	swait.ge [sflag:s11], $0x800  }
0x38: {  	s3 =	sadd.s32 $0x1, s3;
	[sflag:s11] =	ssyncset.done $0x0  }
0x39: {  	p0 =	sne.s32 s3, s9;
	[sflag:s11] =	ssyncadd.s32 $0xFFFFF800  }
.Ltmp2:
0x3a: {  	[bflag:$0x0] =	sbarrier.arrive $0xFFFF;
	(pc) =	sbr.rel @p0 .LBB2_1-.Ltmp2, $4  }
0x3b: {  	[hbm:s8], [sflag:s16] =	dma.local [spmem:s17], $0x4F0  }
0x3c: {  	_ =	swait.ge [sflag:s11], $0x4F0  }
0x3d: {  	[sflag:s11] =	ssyncset.done $0x0  }
0x3e: {  	[sflag:s11] =	ssyncadd.s32 $0xFFFFFB10  }
0x3f: {  	_ =	sfence.sel $0x180000  }
0x40: {  	[bflag:$0x0] =	sbarrier.arrive $0xFFFF  }
0x41: {  	p0 =	sne.s32 s0, $0x0;
	_ =	strace $0x9000004D  }
0x42: {  	s0 =	sadd.s32 @!p0 $0x100000, s1;
	[bflag:$0x2] =	sbarrier.arrive $0xFFFF  }
0x43: {  	[sflag:s0] =	ssyncadd.tile.s32 @!p0 $0x1;
	_ =	shalt  }
.Lfunc_end2:
_tile_overlayer_lowered:
.L_overlay_start_2:
0x44: {  	(tag) =	ssettag $0x2  }
0x45: {  	s0 =	rddreg [dreg:$0x0];
	s2 =	stileid.u32  }
0x46: {  	s1 =	rddreg [dreg:$0x1];
	p0 =	sne.s32 s2, $0x0  }
0x47: {  	s3 =	rddreg [dreg:$0x2];
	[bflag:$0x3] =	sbarrier.arrive $0xFFFF;
	s2 =	simm.s32 @!p0 $0x1C02  }
0x48: {  	[timem:s3], [sflag:s2] =	dma.local @!p0 [hbm:s0], s1  }
0x49: {  	s0 =	simm.s32 @!p0 $0x2  }
0x4a: {  	_ =	swait.ge @!p0 [sflag:s0], s1  }
0x4b: {  	s1 =	ssub.s32 @!p0 $0x0, s1;
	[sflag:s0] =	ssyncset.done @!p0 $0x0  }
0x4c: {  	[sflag:s0] =	ssyncadd.s32 @!p0 s1  }
0x4d: {  	[bflag:$0x3] =	sbarrier.arrive $0xFFFF  }
0x4e: {  	_ =	shalt  }

// kernel: kernel.8.cloned.1.call-start
scs
__scs_entry_jumppad:
0x0: {  	(pc) =	sbr.rel $0x88, $3  }
0x1: {  	(tag) =	ssettag $0x0;
	lr =	simm.s32 $0x1  }
0x2: {  	[smem:$0x3F9B] =	sst lr;
	_ =	strace $0xD0000000  }
0x3: {  	_ = 	snop  }
0x4: {  	_ = 	snop  }
0x5: {  	_ = 	snop  }
0x6: {  	_ = 	snop  }
0x7: {  	_ = 	snop  }
__scs_overlays_trampoline_lowered:
0x8: {  	[smem:$0x3FAA] =	sst s0  }
0x9: {  	[smem:$0x3FAB] =	sst s1  }
0xa: {  	[smem:$0x3FAC] =	sst s2  }
0xb: {  	[smem:$0x3FAD] =	sst s3  }
0xc: {  	[smem:$0x3FAE] =	sst s4  }
0xd: {  	[smem:$0x3FAF] =	sst s5  }
0xe: {  	[smem:$0x3FB0] =	sst s6  }
0xf: {  	[smem:$0x3FB1] =	sst s7  }
0x10: {  	[smem:$0x3FB2] =	sst s8  }
0x11: {  	[smem:$0x3FB3] =	sst s9;
	s0 =	simm.s32 @!p0 $0x0  }
0x12: {  	s1 =	sld [smem:$0x3F99];
	s0 =	simm.s32 @p0 $0x1  }
0x13: {  	[smem:$0x3FB4] =	sst s0;
	s0 =	simm.s32 @!p1 $0x0  }
0x14: {  	s2 =	sld [smem:$0x3F98];
	s0 =	simm.s32 @p1 $0x1  }
0x15: {  	[smem:$0x3FB5] =	sst s0;
	s0 =	simm.s32 @!p2 $0x0  }
0x16: {  	s3 =	sld [smem:$0x3FDB];
	s0 =	simm.s32 @p2 $0x1  }
0x17: {  	s4 =	simm.s32 $0x1BF5;
	[smem:$0x3FB7] =	sst s0  }
0x18: {  	s0 =	sld [smem:$0x3F9A];
	_ =	swait.ge [sflag:s4], $0x0  }
0x19: {  	s7 =	sld [smem:$0x3F9B]  }
0x1a: {  	s8 =	sadd.s32 $0xFFFFE003, lr  }
0x1b: {  	s9 =	sadd.s32 $0xFFFFFEF7, lr;
	s5 =	simm.s32 $0xFFFFFFFF;
	p2 =	slt.u32 s8, $0xFFFFF086  }
0x1c: {  	p1 =	slt.u32 s9, $0xF7A;
	s5 =	simm.s32 @!p2 $0x0  }
0x1d: {  	s5 =	simm.s32 @p1 $0x1;
	p0 =	seq.s32 s7, s2  }
0x1e: {  	s7 =	smul.u32 @!p0 $0xF7A, s2;
	p2 =	seq.s32 @!p0 s5, $0x0  }
0x1f: {  	s9 =	smul.u32 $0xF7A, s1;
	s8 =	simm.s32 @!p0 $0x1BF5;
	p2 =	por !p2, p0  }
0x20: {  	[sflag:s8] =	ssyncset.s32 @!p0 $0xFFFFF086;
	s6 =	sadd.s32 @!p0 s3, s7;
	s7 =	simm.s32 @!p0 $0x108  }
0x21: {  	s3 =	sadd.s32 s3, s9;
	s6 =	sadd.s32 @!p0 $0x88, s6;
	s7 =	simm.s32 @p2 $0x1082  }
0x22: {  	[simem:s7], [sflag:s8] =	dma.local @!p0 [hbm:s6], $0xF7A  }
0x23: {  	s9 =	sor.u32 $0xD0000000, s2;
	s6 =	simm.s32 $0x108;
	_ =	swait.ge @!p0 [sflag:s8], $0x0  }
0x24: {  	s3 =	sadd.s32 $0x88, s3;
	s6 =	simm.s32 @!p1 $0x1082;
	[sflag:s4] =	ssyncset.s32 $0xFFFFF086  }
0x25: {  	[simem:s6], [sflag:s4] =	dma.local [hbm:s3], $0xF7A  }
0x26: {  	[smem:$0x3F9B] =	sst s1;
	(tag) =	ssettag s2;
	_ =	strace s9  }
0x27: {  	s1 =	sld [smem:$0x3FAB]  }
0x28: {  	s2 =	sld [smem:$0x3FAC]  }
0x29: {  	s4 =	sld [smem:$0x3FAE]  }
0x2a: {  	p0 =	seq.s32 s5, $0x0;
	s5 =	sld [smem:$0x3FAF]  }
0x2b: {  	s6 =	sld [smem:$0x3FB0]  }
0x2c: {  	s7 =	sld [smem:$0x3FB1]  }
0x2d: {  	s3 =	simm.s32 $0x108;
	s8 =	sld [smem:$0x3FB2]  }
0x2e: {  	s3 =	simm.s32 @!p0 $0x1082;
	s9 =	sld [smem:$0x3FB3]  }
0x2f: {  	lr =	sadd.s32 s0, s3;
	s0 =	sld [smem:$0x3FAA]  }
0x30: {  	s3 =	sld [smem:$0x3FAD]  }
0x31: {  	[smem:$0x3FB6] =	sst s10  }
0x32: {  	s10 =	sld [smem:$0x3FB4];
	_ =	sdelay $0x3  }
0x33: {  	p0 =	seq.s32 s10, $0x1;
	s10 =	sld [smem:$0x3FB6];
	_ =	sdelay $0x3  }
0x34: {  	[smem:$0x3FB6] =	sst s10  }
0x35: {  	s10 =	sld [smem:$0x3FB5];
	_ =	sdelay $0x3  }
0x36: {  	p1 =	seq.s32 s10, $0x1;
	s10 =	sld [smem:$0x3FB6];
	_ =	sdelay $0x3  }
0x37: {  	[smem:$0x3FB6] =	sst s10  }
0x38: {  	s10 =	sld [smem:$0x3FB7]  }
0x39: {  	_ = 	snop;
	(pc) =	sbr.ind lr, $3  }
0x3a: {  	_ = 	snop  }
0x3b: {  	_ = 	snop  }
0x3c: {  	p2 =	seq.s32 s10, $0x1;
	s10 =	sld [smem:$0x3FB6]  }
0x3d: {  	_ =	shalt  }
0x3e: {  	_ =	shalt  }
0x3f: {  	_ =	shalt  }
0x40: {  	_ =	shalt  }
0x41: {  	_ =	shalt  }
0x42: {  	_ =	shalt  }
0x43: {  	_ =	shalt  }
0x44: {  	_ =	shalt  }
0x45: {  	_ =	shalt  }
0x46: {  	_ =	shalt  }
0x47: {  	_ =	shalt  }
0x48: {  	_ =	shalt  }
0x49: {  	_ =	shalt  }
0x4a: {  	_ =	shalt  }
0x4b: {  	_ =	shalt  }
0x4c: {  	_ =	shalt  }
0x4d: {  	_ =	shalt  }
0x4e: {  	_ =	shalt  }
0x4f: {  	_ =	shalt  }
0x50: {  	_ =	shalt  }
0x51: {  	_ =	shalt  }
0x52: {  	_ =	shalt  }
0x53: {  	_ =	shalt  }
0x54: {  	_ =	shalt  }
0x55: {  	_ =	shalt  }
0x56: {  	_ =	shalt  }
0x57: {  	_ =	shalt  }
0x58: {  	_ =	shalt  }
0x59: {  	_ =	shalt  }
0x5a: {  	_ =	shalt  }
0x5b: {  	_ =	shalt  }
0x5c: {  	_ =	shalt  }
0x5d: {  	_ =	shalt  }
0x5e: {  	_ =	shalt  }
0x5f: {  	_ =	shalt  }
0x60: {  	_ =	shalt  }
0x61: {  	_ =	shalt  }
0x62: {  	_ =	shalt  }
0x63: {  	_ =	shalt  }
0x64: {  	_ =	shalt  }
0x65: {  	_ =	shalt  }
0x66: {  	_ =	shalt  }
0x67: {  	_ =	shalt  }
0x68: {  	_ =	shalt  }
0x69: {  	_ =	shalt  }
0x6a: {  	_ =	shalt  }
0x6b: {  	_ =	shalt  }
0x6c: {  	_ =	shalt  }
0x6d: {  	_ =	shalt  }
0x6e: {  	_ =	shalt  }
0x6f: {  	_ =	shalt  }
0x70: {  	_ =	shalt  }
0x71: {  	_ =	shalt  }
0x72: {  	_ =	shalt  }
0x73: {  	_ =	shalt  }
0x74: {  	_ =	shalt  }
0x75: {  	_ =	shalt  }
0x76: {  	_ =	shalt  }
0x77: {  	_ =	shalt  }
0x78: {  	_ =	shalt  }
0x79: {  	_ =	shalt  }
0x7a: {  	_ =	shalt  }
0x7b: {  	_ =	shalt  }
0x7c: {  	_ =	shalt  }
0x7d: {  	_ =	shalt  }
0x7e: {  	_ =	shalt  }
0x7f: {  	_ =	shalt  }
0x80: {  	_ =	shalt  }
0x81: {  	_ =	shalt  }
0x82: {  	_ =	shalt  }
0x83: {  	_ =	shalt  }
0x84: {  	_ =	shalt  }
0x85: {  	_ =	shalt  }
0x86: {  	_ =	shalt  }
0x87: {  	_ =	shalt  }
.Lfunc_end0:
.L_simem_size_0:
called_computation_lowered:
.L_overlay_start_0:
0x88: {  	s2 =	sld [smem:$0x3FD9]  }
0x89: {  	s3 =	sld [smem:$0x3FFE];
	_ =	sdelay $0x1  }
0x8a: {  	s1 =	srdreg.scid  }
0x8b: {  	s0 =	sand.u32 $0x1, s1  }
0x8c: {  	s17 =	sshll.u32 s0, $0xA;
	s2 =	sadd.s32 s3, s2  }
0x8d: {  	s2 =	sadd.s32 s2, s17  }
0x8e: {  	[smem:$0x3FC2] =	sst s2  }
0x8f: {  	_ = 	snop  }
0x90: {  	s2 =	sld [smem:$0x3FD0];
	(tm) =	ssettm $0x1  }
0x91: {  	s18 =	sld [smem:$0x3FFB];
	_ =	sdelay $0x3  }
0x92: {  	_ =	strace s18  }
0x93: {  	s3 =	sld [smem:$0x3FFC];
	_ =	sdelay $0x3  }
0x94: {  	_ =	strace s3  }
0x95: {  	s3 =	sld [smem:$0x3FFD];
	_ =	sdelay $0x3  }
0x96: {  	_ =	strace s3  }
0x97: {  	_ =	strace $0x8FFFFFFF  }
0x98: {  	s19 =	sld [smem:$0x3FDB];
	_ =	sdelay $0x1  }
0x99: {  	s4 =	simm.s32 $_scs_section_size  }
0x9a: {  	s5 =	simm.s32 $_size__tile_overlayer_lowered;
	s6 =	simm.s32 $_tile_overlayer_lowered  }
0x9b: {  	s22 =	simm.s32 $0x1BFF;
	s21 =	sshll.u32 s6, $0x1;
	s3 =	sadd.s32 s4, s19  }
0x9c: {  	s7 =	simm.s32 $0x0;
	s20 =	sshll.u32 s5, $0x1;
	s5 =	sadd.s32 s21, s3  }
0x9d: {  	[timem:s7], [sflag:s22] =	dma.local [hbm:s5], s20  }
0x9e: {  	_ =	swait.ge [sflag:s22], s20  }
0x9f: {  	s4 =	ssub.s32 $0x0, s20;
	[sflag:s22] =	ssyncset.done $0x0  }
0xa0: {  	[sflag:s22] =	ssyncadd.s32 s4;
	_ =	sdelay $0x1  }
0xa1: {  	s23 =	simm.s32 $0x1B8B  }
0xa2: {  	_ =	swait.ge [sflag:s23], $0x1  }
0xa3: {  	[sflag:s23] =	ssyncset.done $0x0  }
0xa4: {  	s25 =	simm.s32 $0x1B8E;
	s24 =	sld [smem:$0x3FFE];
	[sflag:s23] =	ssyncadd.s32 $0xFFFFFFFF  }
0xa5: {  	s26 =	simm.s32 $execute0_lowered;
	[smem:$0x3FD2] =	sst s25  }
0xa6: {  	s5 =	sshll.u32 s26, $0x1;
	_ =	strace $0x80000046;
	[dreg:$0x1] =	wrdreg $0xFFFFFFFF  }
0xa7: {  	s28 =	simm.s32 $_size_execute0_lowered;
	s3 =	sadd.s32 s3, s5;
	[dreg:$0x0] =	wrdreg $0x0  }
0xa8: {  	s5 =	sshll.u32 s28, $0x1;
	[dreg:$0x2] =	wrdreg s3  }
0xa9: {  	[dreg:$0x3] =	wrdreg s5  }
0xaa: {  	[dreg:$0x4] =	wrdreg $0xC0  }
0xab: {  	_ =	task [dreg:s7], $0x5FFFF  }
0xac: {  	[dreg:$0x1] =	wrdreg $0xFFFFFFFF  }
0xad: {  	[dreg:$0x0] =	wrdreg $0x60  }
0xae: {  	[dreg:$0x2] =	wrdreg s24  }
0xaf: {  	[dreg:$0x3] =	wrdreg s2  }
0xb0: {  	[dreg:$0x4] =	wrdreg $0x43800  }
0xb1: {  	[dreg:$0x5] =	wrdreg $0x9  }
0xb2: {  	_ =	task.clear_ibuf [dreg:s7], $0x6FFFF;
	_ =	strace $0x90000046  }
0xb3: {  	s29 =	simm.s32 $0x9;
	_ =	strace $0x80000048  }
0xb4: {  	_ =	swait.ge [sflag:s29], $0x1  }
0xb5: {  	[sflag:s29] =	ssyncadd.s32 $0xFFFFFFFF  }
0xb6: {  	_ =	strace $0x90000048  }
0xb7: {  	_ =	sfence  }
0xb8: {  	s30 =	sld [smem:$0x0];
	_ =	sdelay $0x2  }
0xb9: {  	s31 =	sshll.u32 s1, $0xD;
	s1 =	sshrl.u32 s1, $0x2  }
0xba: {  	s3 =	sand.u32 $0x4000, s31;
	s1 =	sadd.s32 s1, s30  }
0xbb: {  	s0 =	sor.u32 s3, s0;
	s1 =	sshll.u32 s1, $0x11  }
0xbc: {  	s0 =	sor.u32 s1, s0  }
0xbd: {  	s0 =	sadd.s32 $0x8F2B, s0  }
0xbe: {  	[sflag:s0] =	ssyncadd.remote.s32 $0x1  }
0xbf: {  	_ =	sfence.sel $0xFFFF  }
0xc0: {  	[dreg:$0x0] =	wrdreg $0xFFFFFFFF;
	(pc) =	sbr.abs _section_cstart, $3  }
0xc1: {  	[dreg:$0x1] =	wrdreg $0xFFFFFFFF  }
0xc2: {  	_ =	task.clear_ibuf [dreg:s7], $0x2FFFF;
	_ =	strace $0x9FFFFFFF  }
0xc3: {  	(tm) =	ssettm $0x7FFFFFFF  }
tec
execute0_lowered:
.L_overlay_start_1:
0x0: {  	(tag) =	ssettag $0x1  }
0x1: {  	s4 =	rddreg [dreg:$0x0]  }
0x2: {  	s1 =	srdreg.scid;
	s6 =	rddreg [dreg:$0x1]  }
0x3: {  	s0 =	stileid.u32;
	s2 =	rddreg [dreg:$0x2]  }
0x4: {  	s3 =	simm.s32 $0x0;
	s11 =	simm.s32 $0x1400;
	s5 =	sand.u32 $0x1, s1  }
0x5: {  	s29 =	sshll.u32 s0, $0x1;
	s8 =	smul.u32 $0x2780, s0;
	s12 =	sshll.u32 s0, $0x6  }
0x6: {  	s1 =	sor.u32 s5, s29;
	s9 =	ssub.s32 $0x2, s5;
	s5 =	smul.u32 $0x27800, s5  }
0x7: {  	[smem:$0x7FF] =	sst s3;
	s12 =	sor.u32 $0x1C01, s12;
	s7 =	smul.u32 $0x280, s1  }
0x8: {  	s1 =	rddreg [dreg:$0x3];
	_ =	strace $0x80000047;
	s10 =	sshrl.u32 s9, $0x1  }
0x9: {  	s9 =	ssub.s32 s9, s10;
	s30 =	sadd.s32 s8, s5;
	s10 =	simm.s32 $0x80  }
0xa: {  	s7 =	sadd.s32 s7, s4;
	s4 =	sadd.s32 s8, s2;
	s31 =	sshrl.u32 s30, $0x3  }
0xb: {  	s8 =	simm.s32 $0x1C00;
	s5 =	sadd.s32 $0x1A00, s7;
	s6 =	sadd.s32 s6, s31  }
0xc: {  	v0 =	vimm.f32 $0.0e+00;
	v1 =	vimm.f32 $1.000000000e+00;
	s7 =	smax.u32 s9, $0x1;
	s9 =	simm.s32 $0x1;
	s13 =	sshrl.u32 s4, $0x3  }
.LBB2_1:
0xd: {  	s14 =	simm.s32 $0x0  }
.LBB2_2:
0xe: {  	p0 =	sne.s32 s14, $0x9DC0  }
.Ltmp0:
0xf: {  	_ = 	snop;
	(pc) =	sbr.rel @p0 .LBB2_2-.Ltmp0, $3  }
0x10: {  	_ =	sdelay $0x1  }
0x11: {  	s15 =	sshra.s32 s14, $0x2  }
0x12: {  	s14 =	sadd.s32 $0x40, s14;
	[tilespmem:s15+$0x1C00] =	vst v0  }
0x13: {  	s14 =	simm.s32 $0x40;
	s15 =	simm.s32 $0x0  }
.LBB2_4:
0x14: {  	p0 =	sne.s32 s14, $0x1FC0;
	[tilespmem:s15+$0x1400] =	vst v1;
	s15 =	smov.u32 s14;
	s14 =	sadd.s32 $0x40, s14  }
.Ltmp1:
0x15: {  	(pc) =	sbr.rel @p0 .LBB2_4-.Ltmp1, $2  }
0x16: {  	_ =	sdelay $0x2  }
0x17: {  	s15 =	sshra.s32 s15, $0x2  }
0x18: {  	[tilespmem:s15+$0x1400] =	vst v1  }
0x19: {  	[spmem:s4] =	stream.linear.scatter [tilespmem:s8], [sflag:$0x1], $0x2780, $0x38;
	[tilespmem:$0x6B00] =	vst v63  }
0x1a: {  	_ =	swait.ge [sflag:s9], $0x2780  }
0x1b: {  	[sflag:s9] =	ssyncset.done $0x0  }
0x1c: {  	s14 =	simm.s32 $0x0;
	[sflag:s9] =	ssyncadd.s32 $0xFFFFD880  }
0x1d: {  	[tilespmem:s14], [sflag:$0x1] =	stream.linear.gather [hbm4b:s5+s14], $0x1400, $0x38;
	[tilespmem:$0x6B00] =	vst v63  }
0x1e: {  	_ =	swait.ge [sflag:s9], $0x1400  }
0x1f: {  	[sflag:s9] =	ssyncset.done $0x0  }
0x20: {  	[sflag:s9] =	ssyncadd.s32 $0xFFFFEC00  }
0x21: {  	s31 =	simm.s32 $0x0;
	[bflag:$0x0] =	sbarrier.arrive $0xFFFF  }
0x22: {  	[spmem:s2] =	stream.indirect.scatter.add.f32 [tilespmem:s11], [sflag:$0x1], $0x10, s31, s10, $0xb8;
	[tilespmem:$0x6B00] =	vst v63  }
0x23: {  	_ =	swait.ge [sflag:s9], $0x800  }
0x24: {  	s14 =	simm.s32 $0x200;
	[sflag:s9] =	ssyncset.done $0x0  }
.LBB2_6:
0x25: {  	s15 =	sshra.s32 s14, $0x2;
	[sflag:s9] =	ssyncadd.s32 $0xFFFFF800;
	p0 =	sne.s32 s14, $0x4E00  }
0x26: {  	[spmem:s2] =	stream.indirect.scatter.add.f32 [tilespmem:s11], [sflag:$0x1], $0x10, s15, s10, $0xb8;
	[tilespmem:$0x6B00] =	vst v63  }
.Ltmp2:
0x27: {  	_ = 	snop;
	(pc) =	sbr.rel @p0 .LBB2_6-.Ltmp2, $4  }
0x28: {  	_ = 	snop  }
0x29: {  	s14 =	sadd.s32 $0x200, s14  }
0x2a: {  	_ =	swait.ge [sflag:s9], $0x800  }
0x2b: {  	[sflag:s9] =	ssyncset.done $0x0  }
0x2c: {  	s3 =	sadd.s32 $0x1, s3  }
0x2d: {  	[sflag:s9] =	ssyncadd.s32 $0xFFFFF800;
	p0 =	sne.s32 s3, s7  }
.Ltmp3:
0x2e: {  	[bflag:$0x0] =	sbarrier.arrive $0xFFFF;
	(pc) =	sbr.rel @p0 .LBB2_1-.Ltmp3, $4  }
0x2f: {  	[hbm:s6], [sflag:s12] =	dma.local [spmem:s13], $0x4F0  }
0x30: {  	_ =	swait.ge [sflag:s9], $0x4F0  }
0x31: {  	[sflag:s9] =	ssyncset.done $0x0  }
0x32: {  	[sflag:s9] =	ssyncadd.s32 $0xFFFFFB10  }
0x33: {  	_ =	sfence.sel $0x180000  }
0x34: {  	[bflag:$0x0] =	sbarrier.arrive $0xFFFF  }
0x35: {  	p0 =	sne.s32 s0, $0x0;
	_ =	strace $0x90000047  }
0x36: {  	s0 =	sadd.s32 @!p0 $0x100000, s1;
	[bflag:$0x2] =	sbarrier.arrive $0xFFFF  }
0x37: {  	[sflag:s0] =	ssyncadd.tile.s32 @!p0 $0x1;
	_ =	shalt  }
.Lfunc_end2:
_tile_overlayer_lowered:
.L_overlay_start_2:
0x38: {  	(tag) =	ssettag $0x2  }
0x39: {  	s0 =	rddreg [dreg:$0x0];
	s2 =	stileid.u32  }
0x3a: {  	s1 =	rddreg [dreg:$0x1];
	p0 =	sne.s32 s2, $0x0  }
0x3b: {  	s3 =	rddreg [dreg:$0x2];
	[bflag:$0x3] =	sbarrier.arrive $0xFFFF;
	s2 =	simm.s32 @!p0 $0x1C01  }
0x3c: {  	[timem:s3], [sflag:s2] =	dma.local @!p0 [hbm:s0], s1  }
0x3d: {  	s0 =	simm.s32 @!p0 $0x1  }
0x3e: {  	_ =	swait.ge @!p0 [sflag:s0], s1  }
0x3f: {  	s1 =	ssub.s32 @!p0 $0x0, s1;
	[sflag:s0] =	ssyncset.done @!p0 $0x0  }
0x40: {  	[sflag:s0] =	ssyncadd.s32 @!p0 s1  }
0x41: {  	[bflag:$0x3] =	sbarrier.arrive $0xFFFF  }
0x42: {  	_ =	shalt  }

</sc_bundles>
